<compile_context>
chip_gen: v7x
topology: tpu7x:2x2x1
jax: 0.10.2.dev20260603
libtpu: 0.0.44.dev20260713+nightly
codegen_flags: <defaults>
</compile_context>

<pallas_src>
import functools
import math

import jax
from jax import lax
import jax.numpy as jnp
from jax.experimental import pallas as pl
from jax.experimental.pallas import tpu as pltpu
from jax.experimental.pallas import tpu_sc as plsc

E = 64
D = 768
H = 768
T = 2048
R = 64
NB = 128
NPAD = NB * R
DEPTH_SCALE = 1.0 / math.sqrt(12)

NC = 2
NS = 16
NW = NC * NS
CHUNK = T // NW


def _cumsum_rows(a):
    n, m = a.shape
    s = 1
    while s < n:
        shifted = jnp.concatenate([jnp.zeros((s, m), a.dtype), a[:-s]], axis=0)
        a = a + shifted
        s *= 2
    return a


def _router_body(x_ref, wr_ref, p0_ref, p1_ref, w0_ref, w1_ref, be_ref, nb_ref):
    x = x_ref[...]
    logits = jax.lax.dot_general(
        x, wr_ref[...], dimension_numbers=(((1,), (1,)), ((), ())),
        preferred_element_type=jnp.float32)
    col = jax.lax.broadcasted_iota(jnp.int32, logits.shape, 1)
    m1 = jnp.max(logits, axis=1, keepdims=True)
    i1 = jnp.argmax(logits, axis=1)[:, None]
    masked = jnp.where(col == i1, -1e30, logits)
    m2 = jnp.max(masked, axis=1, keepdims=True)
    i2 = jnp.argmax(masked, axis=1)[:, None]
    w0 = jax.nn.sigmoid(m1 - m2)
    w0_ref[...] = w0
    w1_ref[...] = 1.0 - w0

    oh1 = (col == i1).astype(jnp.float32)
    oh2 = (col == i2).astype(jnp.float32)
    c1 = _cumsum_rows(oh1)
    c2 = _cumsum_rows(oh2)
    rank0 = jnp.sum(oh1 * (c1 - 1.0 + c2), axis=1, keepdims=True)
    rank1 = jnp.sum(oh2 * (c2 - 1.0 + c1), axis=1, keepdims=True)

    counts = c1[-1:, :] + c2[-1:, :]
    nb_e = (counts + (R - 1)) // R
    rr = jax.lax.broadcasted_iota(jnp.int32, (E, E), 0)
    cc = jax.lax.broadcasted_iota(jnp.int32, (E, E), 1)
    lt = (rr < cc).astype(jnp.float32)
    bs = jax.lax.dot_general(nb_e, lt,
                             dimension_numbers=(((1,), (0,)), ((), ())),
                             preferred_element_type=jnp.float32)
    ends = bs + nb_e
    total = ends[0, E - 1]

    base0 = jnp.sum(oh1 * bs, axis=1, keepdims=True) * R
    base1 = jnp.sum(oh2 * bs, axis=1, keepdims=True) * R
    p0_ref[...] = (base0 + rank0).astype(jnp.int32)
    p1_ref[...] = (base1 + rank1).astype(jnp.int32)

    b_iota = jax.lax.broadcasted_iota(jnp.int32, (NB, E), 0).astype(jnp.float32)
    ends_b = jnp.broadcast_to(ends, (NB, E))
    be = jnp.sum((ends_b <= b_iota).astype(jnp.float32), axis=1, keepdims=True)
    be_last = jnp.sum((ends <= (total - 1.0)).astype(jnp.float32), axis=1,
                      keepdims=True)
    be = jnp.minimum(be, be_last)
    be_ref[...] = be.astype(jnp.int32).reshape(1, NB)
    nb_ref[...] = jnp.full((1, 1), total, jnp.float32).astype(jnp.int32)


def _ffn_body(be_ref, nb_ref, xs_ref, wg_ref, wu_ref, wd_ref, ys_ref):
    b = pl.program_id(0)

    @pl.when(b < nb_ref[0])
    def _():
        xb = xs_ref[...]
        g = jax.lax.dot_general(xb, wg_ref[0],
                                dimension_numbers=(((1,), (1,)), ((), ())),
                                preferred_element_type=jnp.float32)
        u = jax.lax.dot_general(xb, wu_ref[0],
                                dimension_numbers=(((1,), (1,)), ((), ())),
                                preferred_element_type=jnp.float32)
        h = (g * jax.nn.sigmoid(g)) * u
        ys_ref[...] = jax.lax.dot_general(h, wd_ref[0],
                                          dimension_numbers=(((1,), (1,)), ((), ())),
                                          preferred_element_type=jnp.float32) * DEPTH_SCALE


def _combine_body(a_ref, b_ref, w0_ref, w1_ref, out_ref):
    out_ref[...] = w0_ref[...] * a_ref[...] + w1_ref[...] * b_ref[...]


_SC_MESH = plsc.VectorSubcoreMesh(
    core_axis_name="c", subcore_axis_name="s", num_cores=NC, num_subcores=NS)


@functools.partial(
    pl.kernel,
    out_type=jax.ShapeDtypeStruct((NPAD, D), jnp.float32),
    mesh=_SC_MESH,
    scratch_types=[
        pltpu.VMEM((CHUNK, D), jnp.float32),
        pltpu.VMEM((CHUNK,), jnp.int32),
        pltpu.VMEM((CHUNK,), jnp.int32),
        pltpu.SemaphoreType.DMA,
    ],
)
def _sc_dispatch(x_hbm, p0_hbm, p1_hbm, xs_hbm, xbuf, idx0, idx1, sem):
    w = lax.axis_index("s") * NC + lax.axis_index("c")
    base = w * CHUNK
    pltpu.sync_copy(x_hbm.at[pl.ds(base, CHUNK)], xbuf)
    pltpu.sync_copy(p0_hbm.at[w], idx0)
    pltpu.sync_copy(p1_hbm.at[w], idx1)
    c0 = pltpu.async_copy(xbuf, xs_hbm.at[idx0], sem)
    c1 = pltpu.async_copy(xbuf, xs_hbm.at[idx1], sem)
    c0.wait()
    c1.wait()


@functools.partial(
    pl.kernel,
    out_type=(
        jax.ShapeDtypeStruct((T, D), jnp.float32),
        jax.ShapeDtypeStruct((T, D), jnp.float32),
    ),
    mesh=_SC_MESH,
    scratch_types=[
        pltpu.VMEM((CHUNK, D), jnp.float32),
        pltpu.VMEM((CHUNK, D), jnp.float32),
        pltpu.VMEM((CHUNK,), jnp.int32),
        pltpu.VMEM((CHUNK,), jnp.int32),
        pltpu.SemaphoreType.DMA,
    ],
)
def _sc_combine(ys_hbm, p0_hbm, p1_hbm, a_hbm, b_hbm, buf0, buf1, idx0, idx1, sem):
    w = lax.axis_index("s") * NC + lax.axis_index("c")
    base = w * CHUNK
    pltpu.sync_copy(p0_hbm.at[w], idx0)
    pltpu.sync_copy(p1_hbm.at[w], idx1)
    c0 = pltpu.async_copy(ys_hbm.at[idx0], buf0, sem)
    c1 = pltpu.async_copy(ys_hbm.at[idx1], buf1, sem)
    c0.wait()
    c1.wait()
    pltpu.sync_copy(buf0, a_hbm.at[pl.ds(base, CHUNK)])
    pltpu.sync_copy(buf1, b_hbm.at[pl.ds(base, CHUNK)])


@jax.jit
def _moe(x, W_router, W_gate, W_up, W_down):
    Bx, Tx, C = x.shape
    flat_x = x.reshape(Tx, C)

    p0, p1, w0, w1, be, nbt = pl.pallas_call(
        _router_body,
        out_shape=(
            jax.ShapeDtypeStruct((Tx, 1), jnp.int32),
            jax.ShapeDtypeStruct((Tx, 1), jnp.int32),
            jax.ShapeDtypeStruct((Tx, 1), jnp.float32),
            jax.ShapeDtypeStruct((Tx, 1), jnp.float32),
            jax.ShapeDtypeStruct((1, NB), jnp.int32),
            jax.ShapeDtypeStruct((1, 1), jnp.int32),
        ),
        in_specs=[
            pl.BlockSpec((Tx, C), lambda: (0, 0)),
            pl.BlockSpec((E, C), lambda: (0, 0)),
        ],
        out_specs=(
            pl.BlockSpec((Tx, 1), lambda: (0, 0)),
            pl.BlockSpec((Tx, 1), lambda: (0, 0)),
            pl.BlockSpec((Tx, 1), lambda: (0, 0)),
            pl.BlockSpec((Tx, 1), lambda: (0, 0)),
            pl.BlockSpec((1, NB), lambda: (0, 0)),
            pl.BlockSpec((1, 1), lambda: (0, 0)),
        ),
    )(flat_x, W_router)

    p0w = p0.reshape(NW, CHUNK)
    p1w = p1.reshape(NW, CHUNK)

    xs = _sc_dispatch(flat_x, p0w, p1w)

    ys = pl.pallas_call(
        _ffn_body,
        grid_spec=pltpu.PrefetchScalarGridSpec(
            num_scalar_prefetch=2,
            grid=(NB,),
            in_specs=[
                pl.BlockSpec((R, C), lambda b, be, nb: (b, 0)),
                pl.BlockSpec((1, H, C), lambda b, be, nb: (be[b], 0, 0)),
                pl.BlockSpec((1, H, C), lambda b, be, nb: (be[b], 0, 0)),
                pl.BlockSpec((1, C, H), lambda b, be, nb: (be[b], 0, 0)),
            ],
            out_specs=pl.BlockSpec((R, C), lambda b, be, nb: (b, 0)),
        ),
        out_shape=jax.ShapeDtypeStruct((NPAD, C), jnp.float32),
    )(be[0], nbt[0], xs, W_gate, W_up, W_down)

    a, b = _sc_combine(ys, p0w, p1w)

    out = pl.pallas_call(
        _combine_body,
        out_shape=jax.ShapeDtypeStruct((Tx, C), jnp.float32),
        in_specs=[
            pl.BlockSpec((Tx, C), lambda: (0, 0)),
            pl.BlockSpec((Tx, C), lambda: (0, 0)),
            pl.BlockSpec((Tx, 1), lambda: (0, 0)),
            pl.BlockSpec((Tx, 1), lambda: (0, 0)),
        ],
        out_specs=pl.BlockSpec((Tx, C), lambda: (0, 0)),
    )(a, b, w0, w1)
    return out.reshape(Bx, Tx, C)


def kernel(x, W_router, W_gate, W_up, W_down):
    return _moe(x, W_router, W_gate, W_up, W_down)

# --- scband reference (transcript-rebuilt; emitter-appended) ---
"""Pipeline reference for scband-mo-elayer-23244363005985 (READ-ONLY COPY).

The authoritative reference and input builder live on the scoring server;
editing this copy changes nothing except your own understanding.
"""

import math
import jax
import jax.numpy as jnp
import numpy as np

E = 64
TOP_K = 2
D_MODEL = 768
HIDDEN = 768  # expansion_factor = 1.0 (fine-grained experts)
B = 1
T = 2048
DEPTH = 12
DEPTH_SCALE = 1.0 / math.sqrt(DEPTH)


def setup_inputs(seed: int = 0) -> dict:
    key = jax.random.key(seed)
    ks = jax.random.split(key, 5)
    x = jax.random.normal(ks[0], (B, T, D_MODEL), dtype=jnp.float32)
    W_router = jax.random.normal(ks[1], (E, D_MODEL), dtype=jnp.float32) * 0.02
    W_gate = jax.random.normal(ks[2], (E, HIDDEN, D_MODEL), dtype=jnp.float32) * 0.02
    W_up = jax.random.normal(ks[3], (E, HIDDEN, D_MODEL), dtype=jnp.float32) * 0.02
    W_down = jax.random.normal(ks[4], (E, D_MODEL, HIDDEN), dtype=jnp.float32) * 0.02
    return {"x": x, "W_router": W_router, "W_gate": W_gate, "W_up": W_up, "W_down": W_down}


def reference(x, W_router, W_gate, W_up, W_down):
    # Eval-mode MoE forward (no router noise, no dropout), faithful to the torch module.
    Bx, Tx, C = x.shape
    flat_x = x.reshape(-1, C)
    router_logits = flat_x @ W_router.T
    routing_vals, selected_experts = jax.lax.top_k(router_logits, TOP_K)
    routing_weights = jax.nn.softmax(routing_vals.astype(jnp.float32), axis=-1).astype(x.dtype)
    final_output = jnp.zeros_like(flat_x)
    num_experts = W_gate.shape[0]
    for k in range(TOP_K):
        for i in range(num_experts):
            w = jnp.where(selected_experts[:, k] == i, routing_weights[:, k], jnp.zeros_like(routing_weights[:, k]))
            h = jax.nn.silu(flat_x @ W_gate[i].T) * (flat_x @ W_up[i].T)
            out = (h @ W_down[i].T) * DEPTH_SCALE
            final_output = final_output + w[:, None] * out
    return final_output.reshape(Bx, Tx, C)

if __name__ == "__main__":
    import jax
    _d = setup_inputs()
    print(jax.jit(kernel)(*tuple(_d.values())))

</pallas_src>

<mosaic_0001>
#map = affine_map<(d0, d1) -> (0, 0)>
module attributes {stable_mosaic.version = 14 : i64} {
  func.func @_sc_dispatch(%arg0: i32, %arg1: i32, %arg2: memref<2048x768xf32, #tpu.memory_space<hbm>>, %arg3: memref<32x64xi32, #tpu.memory_space<hbm>>, %arg4: memref<32x64xi32, #tpu.memory_space<hbm>>, %arg5: memref<8192x768xf32, #tpu.memory_space<hbm>>, %arg6: memref<64x768xf32, #tpu.memory_space<vmem>>, %arg7: memref<64xi32, #tpu.memory_space<vmem>>, %arg8: memref<64xi32, #tpu.memory_space<vmem>>, %arg9: memref<!tpu.dma_semaphore, #tpu.memory_space<semaphore_mem>>) attributes {dimension_semantics = [#tpu.dimension_semantics<core_parallel>, #tpu.dimension_semantics<subcore_parallel>], iteration_bounds = array<i64: 2, 16>, scalar_prefetch = 0 : i64, scratch_operands = 4 : i64, tpu.core_type = #tpu.core_type<sc_vector_subcore>, window_params = [{transform_indices = #map}, {transform_indices = #map}, {transform_indices = #map}, {transform_indices = #map}]} {
    %mul3A = arith.constant 2 : i32
    %mul3A_0 = arith.muli %arg1, %mul3A : i32
    %add3A = arith.addi %mul3A_0, %arg0 : i32
    %mul3A_1 = arith.constant 64 : i32
    %mul3A_2 = arith.muli %add3A, %mul3A_1 : i32
    "tpu.region"() ({
      %run_scoped3A = tpu.sem_alloc : memref<!tpu.dma_semaphore, #tpu.memory_space<semaphore_mem>>
      %dma_start3A_13 = arith.constant 0 : i32
      %dma_start3A_14 = tpu.memref_slice %arg2[%mul3A_2, %dma_start3A_13] : memref<2048x768xf32, #tpu.memory_space<hbm>> -> memref<64x768xf32, #tpu.memory_space<hbm>>
      %dma_start3A_15 = arith.constant 0 : i32
      %dma_start3A_16 = tpu.memref_slice %arg2[%mul3A_2, %dma_start3A_15] : memref<2048x768xf32, #tpu.memory_space<hbm>> -> memref<64x768xf32, #tpu.memory_space<hbm>>
      tpu.enqueue_dma source(%dma_start3A_16 : memref<64x768xf32, #tpu.memory_space<hbm>>) target(%arg6 : memref<64x768xf32, #tpu.memory_space<vmem>>) target_semaphore(%run_scoped3A : memref<!tpu.dma_semaphore, #tpu.memory_space<semaphore_mem>>)
      %dma_wait3A_17 = arith.constant 0 : i32
      %dma_wait3A_18 = tpu.memref_slice %arg2[%mul3A_2, %dma_wait3A_17] : memref<2048x768xf32, #tpu.memory_space<hbm>> -> memref<64x768xf32, #tpu.memory_space<hbm>>
      %dma_wait3A_19 = arith.constant 0 : i32
      %dma_wait3A_20 = tpu.memref_slice %arg2[%mul3A_2, %dma_wait3A_19] : memref<2048x768xf32, #tpu.memory_space<hbm>> -> memref<64x768xf32, #tpu.memory_space<hbm>>
      tpu.wait_dma2 semaphore(%run_scoped3A : memref<!tpu.dma_semaphore, #tpu.memory_space<semaphore_mem>>) src(%dma_wait3A_20 : memref<64x768xf32, #tpu.memory_space<hbm>>) dst(%arg6 : memref<64x768xf32, #tpu.memory_space<vmem>>)
      tpu.yield
    }) : () -> ()
    "tpu.region"() ({
      %run_scoped3A = tpu.sem_alloc : memref<!tpu.dma_semaphore, #tpu.memory_space<semaphore_mem>>
      %dma_start3A_13 = arith.constant 0 : i32
      %dma_start3A_14 = tpu.memref_slice %arg3[%add3A, %dma_start3A_13] : memref<32x64xi32, #tpu.memory_space<hbm>> -> memref<1x64xi32, #tpu.memory_space<hbm>>
      %dma_start3A_15 = tpu.memref_squeeze %dma_start3A_14 : memref<1x64xi32, #tpu.memory_space<hbm>> -> memref<64xi32, #tpu.memory_space<hbm>>
      %dma_start3A_16 = arith.constant 0 : i32
      %dma_start3A_17 = tpu.memref_slice %arg3[%add3A, %dma_start3A_16] : memref<32x64xi32, #tpu.memory_space<hbm>> -> memref<1x64xi32, #tpu.memory_space<hbm>>
      %dma_start3A_18 = tpu.memref_squeeze %dma_start3A_17 : memref<1x64xi32, #tpu.memory_space<hbm>> -> memref<64xi32, #tpu.memory_space<hbm>>
      tpu.enqueue_dma source(%dma_start3A_18 : memref<64xi32, #tpu.memory_space<hbm>>) target(%arg7 : memref<64xi32, #tpu.memory_space<vmem>>) target_semaphore(%run_scoped3A : memref<!tpu.dma_semaphore, #tpu.memory_space<semaphore_mem>>)
      %dma_wait3A_19 = arith.constant 0 : i32
      %dma_wait3A_20 = tpu.memref_slice %arg3[%add3A, %dma_wait3A_19] : memref<32x64xi32, #tpu.memory_space<hbm>> -> memref<1x64xi32, #tpu.memory_space<hbm>>
      %dma_wait3A_21 = tpu.memref_squeeze %dma_wait3A_20 : memref<1x64xi32, #tpu.memory_space<hbm>> -> memref<64xi32, #tpu.memory_space<hbm>>
      %dma_wait3A_22 = arith.constant 0 : i32
      %dma_wait3A_23 = tpu.memref_slice %arg3[%add3A, %dma_wait3A_22] : memref<32x64xi32, #tpu.memory_space<hbm>> -> memref<1x64xi32, #tpu.memory_space<hbm>>
      %dma_wait3A_24 = tpu.memref_squeeze %dma_wait3A_23 : memref<1x64xi32, #tpu.memory_space<hbm>> -> memref<64xi32, #tpu.memory_space<hbm>>
      tpu.wait_dma2 semaphore(%run_scoped3A : memref<!tpu.dma_semaphore, #tpu.memory_space<semaphore_mem>>) src(%dma_wait3A_24 : memref<64xi32, #tpu.memory_space<hbm>>) dst(%arg7 : memref<64xi32, #tpu.memory_space<vmem>>)
      tpu.yield
    }) : () -> ()
    "tpu.region"() ({
      %run_scoped3A = tpu.sem_alloc : memref<!tpu.dma_semaphore, #tpu.memory_space<semaphore_mem>>
      %dma_start3A_13 = arith.constant 0 : i32
      %dma_start3A_14 = tpu.memref_slice %arg4[%add3A, %dma_start3A_13] : memref<32x64xi32, #tpu.memory_space<hbm>> -> memref<1x64xi32, #tpu.memory_space<hbm>>
      %dma_start3A_15 = tpu.memref_squeeze %dma_start3A_14 : memref<1x64xi32, #tpu.memory_space<hbm>> -> memref<64xi32, #tpu.memory_space<hbm>>
      %dma_start3A_16 = arith.constant 0 : i32
      %dma_start3A_17 = tpu.memref_slice %arg4[%add3A, %dma_start3A_16] : memref<32x64xi32, #tpu.memory_space<hbm>> -> memref<1x64xi32, #tpu.memory_space<hbm>>
      %dma_start3A_18 = tpu.memref_squeeze %dma_start3A_17 : memref<1x64xi32, #tpu.memory_space<hbm>> -> memref<64xi32, #tpu.memory_space<hbm>>
      tpu.enqueue_dma source(%dma_start3A_18 : memref<64xi32, #tpu.memory_space<hbm>>) target(%arg8 : memref<64xi32, #tpu.memory_space<vmem>>) target_semaphore(%run_scoped3A : memref<!tpu.dma_semaphore, #tpu.memory_space<semaphore_mem>>)
      %dma_wait3A_19 = arith.constant 0 : i32
      %dma_wait3A_20 = tpu.memref_slice %arg4[%add3A, %dma_wait3A_19] : memref<32x64xi32, #tpu.memory_space<hbm>> -> memref<1x64xi32, #tpu.memory_space<hbm>>
      %dma_wait3A_21 = tpu.memref_squeeze %dma_wait3A_20 : memref<1x64xi32, #tpu.memory_space<hbm>> -> memref<64xi32, #tpu.memory_space<hbm>>
      %dma_wait3A_22 = arith.constant 0 : i32
      %dma_wait3A_23 = tpu.memref_slice %arg4[%add3A, %dma_wait3A_22] : memref<32x64xi32, #tpu.memory_space<hbm>> -> memref<1x64xi32, #tpu.memory_space<hbm>>
      %dma_wait3A_24 = tpu.memref_squeeze %dma_wait3A_23 : memref<1x64xi32, #tpu.memory_space<hbm>> -> memref<64xi32, #tpu.memory_space<hbm>>
      tpu.wait_dma2 semaphore(%run_scoped3A : memref<!tpu.dma_semaphore, #tpu.memory_space<semaphore_mem>>) src(%dma_wait3A_24 : memref<64xi32, #tpu.memory_space<hbm>>) dst(%arg8 : memref<64xi32, #tpu.memory_space<vmem>>)
      tpu.yield
    }) : () -> ()
    %dma_start3A = arith.constant 0 : i32
    %dma_start3A_3 = arith.constant 0 : i32
    %dma_start3A_4 = tpu.memref_slice %arg5[%dma_start3A, %dma_start3A_3] : memref<8192x768xf32, #tpu.memory_space<hbm>> -> memref<8192x768xf32, #tpu.memory_space<hbm>>
    tpu.enqueue_indirect_dma source(%arg6 : memref<64x768xf32, #tpu.memory_space<vmem>>) target(%dma_start3A_4 : memref<8192x768xf32, #tpu.memory_space<hbm>>) offsets(%arg7 : memref<64xi32, #tpu.memory_space<vmem>>) semaphore(%arg9 : memref<!tpu.dma_semaphore, #tpu.memory_space<semaphore_mem>>)
    %dma_start3A_5 = arith.constant 0 : i32
    %dma_start3A_6 = arith.constant 0 : i32
    %dma_start3A_7 = tpu.memref_slice %arg5[%dma_start3A_5, %dma_start3A_6] : memref<8192x768xf32, #tpu.memory_space<hbm>> -> memref<8192x768xf32, #tpu.memory_space<hbm>>
    tpu.enqueue_indirect_dma source(%arg6 : memref<64x768xf32, #tpu.memory_space<vmem>>) target(%dma_start3A_7 : memref<8192x768xf32, #tpu.memory_space<hbm>>) offsets(%arg8 : memref<64xi32, #tpu.memory_space<vmem>>) semaphore(%arg9 : memref<!tpu.dma_semaphore, #tpu.memory_space<semaphore_mem>>)
    %dma_wait3A = arith.constant 0 : i32
    %dma_wait3A_8 = arith.constant 0 : i32
    %dma_wait3A_9 = tpu.memref_slice %arg5[%dma_wait3A, %dma_wait3A_8] : memref<8192x768xf32, #tpu.memory_space<hbm>> -> memref<8192x768xf32, #tpu.memory_space<hbm>>
    tpu.wait_indirect_dma semaphore(%arg9 : memref<!tpu.dma_semaphore, #tpu.memory_space<semaphore_mem>>) src(%arg6 : memref<64x768xf32, #tpu.memory_space<vmem>>) dst(%dma_wait3A_9 : memref<8192x768xf32, #tpu.memory_space<hbm>>)
    %dma_wait3A_10 = arith.constant 0 : i32
    %dma_wait3A_11 = arith.constant 0 : i32
    %dma_wait3A_12 = tpu.memref_slice %arg5[%dma_wait3A_10, %dma_wait3A_11] : memref<8192x768xf32, #tpu.memory_space<hbm>> -> memref<8192x768xf32, #tpu.memory_space<hbm>>
    tpu.wait_indirect_dma semaphore(%arg9 : memref<!tpu.dma_semaphore, #tpu.memory_space<semaphore_mem>>) src(%arg6 : memref<64x768xf32, #tpu.memory_space<vmem>>) dst(%dma_wait3A_12 : memref<8192x768xf32, #tpu.memory_space<hbm>>)
    return
  }
}

#map = affine_map<(d0, d1) -> (0, 0)>
module attributes {stable_mosaic.version = 14 : i64} {
  func.func @_sc_combine(%arg0: i32, %arg1: i32, %arg2: memref<8192x768xf32, #tpu.memory_space<hbm>>, %arg3: memref<32x64xi32, #tpu.memory_space<hbm>>, %arg4: memref<32x64xi32, #tpu.memory_space<hbm>>, %arg5: memref<2048x768xf32, #tpu.memory_space<hbm>>, %arg6: memref<2048x768xf32, #tpu.memory_space<hbm>>, %arg7: memref<64x768xf32, #tpu.memory_space<vmem>>, %arg8: memref<64x768xf32, #tpu.memory_space<vmem>>, %arg9: memref<64xi32, #tpu.memory_space<vmem>>, %arg10: memref<64xi32, #tpu.memory_space<vmem>>, %arg11: memref<!tpu.dma_semaphore, #tpu.memory_space<semaphore_mem>>) attributes {dimension_semantics = [#tpu.dimension_semantics<core_parallel>, #tpu.dimension_semantics<subcore_parallel>], iteration_bounds = array<i64: 2, 16>, scalar_prefetch = 0 : i64, scratch_operands = 5 : i64, tpu.core_type = #tpu.core_type<sc_vector_subcore>, window_params = [{transform_indices = #map}, {transform_indices = #map}, {transform_indices = #map}, {transform_indices = #map}, {transform_indices = #map}]} {
    %mul3A = arith.constant 2 : i32
    %mul3A_0 = arith.muli %arg1, %mul3A : i32
    %add3A = arith.addi %mul3A_0, %arg0 : i32
    %mul3A_1 = arith.constant 64 : i32
    %mul3A_2 = arith.muli %add3A, %mul3A_1 : i32
    "tpu.region"() ({
      %run_scoped3A = tpu.sem_alloc : memref<!tpu.dma_semaphore, #tpu.memory_space<semaphore_mem>>
      %dma_start3A_13 = arith.constant 0 : i32
      %dma_start3A_14 = tpu.memref_slice %arg3[%add3A, %dma_start3A_13] : memref<32x64xi32, #tpu.memory_space<hbm>> -> memref<1x64xi32, #tpu.memory_space<hbm>>
      %dma_start3A_15 = tpu.memref_squeeze %dma_start3A_14 : memref<1x64xi32, #tpu.memory_space<hbm>> -> memref<64xi32, #tpu.memory_space<hbm>>
      %dma_start3A_16 = arith.constant 0 : i32
      %dma_start3A_17 = tpu.memref_slice %arg3[%add3A, %dma_start3A_16] : memref<32x64xi32, #tpu.memory_space<hbm>> -> memref<1x64xi32, #tpu.memory_space<hbm>>
      %dma_start3A_18 = tpu.memref_squeeze %dma_start3A_17 : memref<1x64xi32, #tpu.memory_space<hbm>> -> memref<64xi32, #tpu.memory_space<hbm>>
      tpu.enqueue_dma source(%dma_start3A_18 : memref<64xi32, #tpu.memory_space<hbm>>) target(%arg9 : memref<64xi32, #tpu.memory_space<vmem>>) target_semaphore(%run_scoped3A : memref<!tpu.dma_semaphore, #tpu.memory_space<semaphore_mem>>)
      %dma_wait3A_19 = arith.constant 0 : i32
      %dma_wait3A_20 = tpu.memref_slice %arg3[%add3A, %dma_wait3A_19] : memref<32x64xi32, #tpu.memory_space<hbm>> -> memref<1x64xi32, #tpu.memory_space<hbm>>
      %dma_wait3A_21 = tpu.memref_squeeze %dma_wait3A_20 : memref<1x64xi32, #tpu.memory_space<hbm>> -> memref<64xi32, #tpu.memory_space<hbm>>
      %dma_wait3A_22 = arith.constant 0 : i32
      %dma_wait3A_23 = tpu.memref_slice %arg3[%add3A, %dma_wait3A_22] : memref<32x64xi32, #tpu.memory_space<hbm>> -> memref<1x64xi32, #tpu.memory_space<hbm>>
      %dma_wait3A_24 = tpu.memref_squeeze %dma_wait3A_23 : memref<1x64xi32, #tpu.memory_space<hbm>> -> memref<64xi32, #tpu.memory_space<hbm>>
      tpu.wait_dma2 semaphore(%run_scoped3A : memref<!tpu.dma_semaphore, #tpu.memory_space<semaphore_mem>>) src(%dma_wait3A_24 : memref<64xi32, #tpu.memory_space<hbm>>) dst(%arg9 : memref<64xi32, #tpu.memory_space<vmem>>)
      tpu.yield
    }) : () -> ()
    "tpu.region"() ({
      %run_scoped3A = tpu.sem_alloc : memref<!tpu.dma_semaphore, #tpu.memory_space<semaphore_mem>>
      %dma_start3A_13 = arith.constant 0 : i32
      %dma_start3A_14 = tpu.memref_slice %arg4[%add3A, %dma_start3A_13] : memref<32x64xi32, #tpu.memory_space<hbm>> -> memref<1x64xi32, #tpu.memory_space<hbm>>
      %dma_start3A_15 = tpu.memref_squeeze %dma_start3A_14 : memref<1x64xi32, #tpu.memory_space<hbm>> -> memref<64xi32, #tpu.memory_space<hbm>>
      %dma_start3A_16 = arith.constant 0 : i32
      %dma_start3A_17 = tpu.memref_slice %arg4[%add3A, %dma_start3A_16] : memref<32x64xi32, #tpu.memory_space<hbm>> -> memref<1x64xi32, #tpu.memory_space<hbm>>
      %dma_start3A_18 = tpu.memref_squeeze %dma_start3A_17 : memref<1x64xi32, #tpu.memory_space<hbm>> -> memref<64xi32, #tpu.memory_space<hbm>>
      tpu.enqueue_dma source(%dma_start3A_18 : memref<64xi32, #tpu.memory_space<hbm>>) target(%arg10 : memref<64xi32, #tpu.memory_space<vmem>>) target_semaphore(%run_scoped3A : memref<!tpu.dma_semaphore, #tpu.memory_space<semaphore_mem>>)
      %dma_wait3A_19 = arith.constant 0 : i32
      %dma_wait3A_20 = tpu.memref_slice %arg4[%add3A, %dma_wait3A_19] : memref<32x64xi32, #tpu.memory_space<hbm>> -> memref<1x64xi32, #tpu.memory_space<hbm>>
      %dma_wait3A_21 = tpu.memref_squeeze %dma_wait3A_20 : memref<1x64xi32, #tpu.memory_space<hbm>> -> memref<64xi32, #tpu.memory_space<hbm>>
      %dma_wait3A_22 = arith.constant 0 : i32
      %dma_wait3A_23 = tpu.memref_slice %arg4[%add3A, %dma_wait3A_22] : memref<32x64xi32, #tpu.memory_space<hbm>> -> memref<1x64xi32, #tpu.memory_space<hbm>>
      %dma_wait3A_24 = tpu.memref_squeeze %dma_wait3A_23 : memref<1x64xi32, #tpu.memory_space<hbm>> -> memref<64xi32, #tpu.memory_space<hbm>>
      tpu.wait_dma2 semaphore(%run_scoped3A : memref<!tpu.dma_semaphore, #tpu.memory_space<semaphore_mem>>) src(%dma_wait3A_24 : memref<64xi32, #tpu.memory_space<hbm>>) dst(%arg10 : memref<64xi32, #tpu.memory_space<vmem>>)
      tpu.yield
    }) : () -> ()
    %dma_start3A = arith.constant 0 : i32
    %dma_start3A_3 = arith.constant 0 : i32
    %dma_start3A_4 = tpu.memref_slice %arg2[%dma_start3A, %dma_start3A_3] : memref<8192x768xf32, #tpu.memory_space<hbm>> -> memref<8192x768xf32, #tpu.memory_space<hbm>>
    tpu.enqueue_indirect_dma source(%dma_start3A_4 : memref<8192x768xf32, #tpu.memory_space<hbm>>) target(%arg7 : memref<64x768xf32, #tpu.memory_space<vmem>>) offsets(%arg9 : memref<64xi32, #tpu.memory_space<vmem>>) semaphore(%arg11 : memref<!tpu.dma_semaphore, #tpu.memory_space<semaphore_mem>>)
    %dma_start3A_5 = arith.constant 0 : i32
    %dma_start3A_6 = arith.constant 0 : i32
    %dma_start3A_7 = tpu.memref_slice %arg2[%dma_start3A_5, %dma_start3A_6] : memref<8192x768xf32, #tpu.memory_space<hbm>> -> memref<8192x768xf32, #tpu.memory_space<hbm>>
    tpu.enqueue_indirect_dma source(%dma_start3A_7 : memref<8192x768xf32, #tpu.memory_space<hbm>>) target(%arg8 : memref<64x768xf32, #tpu.memory_space<vmem>>) offsets(%arg10 : memref<64xi32, #tpu.memory_space<vmem>>) semaphore(%arg11 : memref<!tpu.dma_semaphore, #tpu.memory_space<semaphore_mem>>)
    %dma_wait3A = arith.constant 0 : i32
    %dma_wait3A_8 = arith.constant 0 : i32
    %dma_wait3A_9 = tpu.memref_slice %arg2[%dma_wait3A, %dma_wait3A_8] : memref<8192x768xf32, #tpu.memory_space<hbm>> -> memref<8192x768xf32, #tpu.memory_space<hbm>>
    tpu.wait_indirect_dma semaphore(%arg11 : memref<!tpu.dma_semaphore, #tpu.memory_space<semaphore_mem>>) src(%dma_wait3A_9 : memref<8192x768xf32, #tpu.memory_space<hbm>>) dst(%arg7 : memref<64x768xf32, #tpu.memory_space<vmem>>)
    %dma_wait3A_10 = arith.constant 0 : i32
    %dma_wait3A_11 = arith.constant 0 : i32
    %dma_wait3A_12 = tpu.memref_slice %arg2[%dma_wait3A_10, %dma_wait3A_11] : memref<8192x768xf32, #tpu.memory_space<hbm>> -> memref<8192x768xf32, #tpu.memory_space<hbm>>
    tpu.wait_indirect_dma semaphore(%arg11 : memref<!tpu.dma_semaphore, #tpu.memory_space<semaphore_mem>>) src(%dma_wait3A_12 : memref<8192x768xf32, #tpu.memory_space<hbm>>) dst(%arg8 : memref<64x768xf32, #tpu.memory_space<vmem>>)
    "tpu.region"() ({
      %run_scoped3A = tpu.sem_alloc : memref<!tpu.dma_semaphore, #tpu.memory_space<semaphore_mem>>
      %dma_start3A_13 = arith.constant 0 : i32
      %dma_start3A_14 = tpu.memref_slice %arg5[%mul3A_2, %dma_start3A_13] : memref<2048x768xf32, #tpu.memory_space<hbm>> -> memref<64x768xf32, #tpu.memory_space<hbm>>
      %dma_start3A_15 = arith.constant 0 : i32
      %dma_start3A_16 = tpu.memref_slice %arg5[%mul3A_2, %dma_start3A_15] : memref<2048x768xf32, #tpu.memory_space<hbm>> -> memref<64x768xf32, #tpu.memory_space<hbm>>
      tpu.enqueue_dma source(%arg7 : memref<64x768xf32, #tpu.memory_space<vmem>>) target(%dma_start3A_16 : memref<64x768xf32, #tpu.memory_space<hbm>>) target_semaphore(%run_scoped3A : memref<!tpu.dma_semaphore, #tpu.memory_space<semaphore_mem>>)
      %dma_wait3A_17 = arith.constant 0 : i32
      %dma_wait3A_18 = tpu.memref_slice %arg5[%mul3A_2, %dma_wait3A_17] : memref<2048x768xf32, #tpu.memory_space<hbm>> -> memref<64x768xf32, #tpu.memory_space<hbm>>
      %dma_wait3A_19 = arith.constant 0 : i32
      %dma_wait3A_20 = tpu.memref_slice %arg5[%mul3A_2, %dma_wait3A_19] : memref<2048x768xf32, #tpu.memory_space<hbm>> -> memref<64x768xf32, #tpu.memory_space<hbm>>
      tpu.wait_dma2 semaphore(%run_scoped3A : memref<!tpu.dma_semaphore, #tpu.memory_space<semaphore_mem>>) src(%arg7 : memref<64x768xf32, #tpu.memory_space<vmem>>) dst(%dma_wait3A_20 : memref<64x768xf32, #tpu.memory_space<hbm>>)
      tpu.yield
    }) : () -> ()
    "tpu.region"() ({
      %run_scoped3A = tpu.sem_alloc : memref<!tpu.dma_semaphore, #tpu.memory_space<semaphore_mem>>
      %dma_start3A_13 = arith.constant 0 : i32
      %dma_start3A_14 = tpu.memref_slice %arg6[%mul3A_2, %dma_start3A_13] : memref<2048x768xf32, #tpu.memory_space<hbm>> -> memref<64x768xf32, #tpu.memory_space<hbm>>
      %dma_start3A_15 = arith.constant 0 : i32
      %dma_start3A_16 = tpu.memref_slice %arg6[%mul3A_2, %dma_start3A_15] : memref<2048x768xf32, #tpu.memory_space<hbm>> -> memref<64x768xf32, #tpu.memory_space<hbm>>
      tpu.enqueue_dma source(%arg8 : memref<64x768xf32, #tpu.memory_space<vmem>>) target(%dma_start3A_16 : memref<64x768xf32, #tpu.memory_space<hbm>>) target_semaphore(%run_scoped3A : memref<!tpu.dma_semaphore, #tpu.memory_space<semaphore_mem>>)
      %dma_wait3A_17 = arith.constant 0 : i32
      %dma_wait3A_18 = tpu.memref_slice %arg6[%mul3A_2, %dma_wait3A_17] : memref<2048x768xf32, #tpu.memory_space<hbm>> -> memref<64x768xf32, #tpu.memory_space<hbm>>
      %dma_wait3A_19 = arith.constant 0 : i32
      %dma_wait3A_20 = tpu.memref_slice %arg6[%mul3A_2, %dma_wait3A_19] : memref<2048x768xf32, #tpu.memory_space<hbm>> -> memref<64x768xf32, #tpu.memory_space<hbm>>
      tpu.wait_dma2 semaphore(%run_scoped3A : memref<!tpu.dma_semaphore, #tpu.memory_space<semaphore_mem>>) src(%arg8 : memref<64x768xf32, #tpu.memory_space<vmem>>) dst(%dma_wait3A_20 : memref<64x768xf32, #tpu.memory_space<hbm>>)
      tpu.yield
    }) : () -> ()
    return
  }
}

module attributes {stable_mosaic.version = 14 : i64} {
  func.func @_ffn_body(%arg0: i32, %arg1: memref<128xi32, #tpu.memory_space<smem>>, %arg2: memref<1xi32, #tpu.memory_space<smem>>, %arg3: memref<64x768xf32, #tpu.memory_space<vmem>>, %arg4: memref<1x768x768xf32, #tpu.memory_space<vmem>>, %arg5: memref<1x768x768xf32, #tpu.memory_space<vmem>>, %arg6: memref<1x768x768xf32, #tpu.memory_space<vmem>>, %arg7: memref<64x768xf32, #tpu.memory_space<vmem>>) attributes {dimension_semantics = [#tpu.dimension_semantics<arbitrary>], iteration_bounds = array<i64: 128>, scalar_prefetch = 2 : i64, scratch_operands = 0 : i64, tpu.core_type = #tpu.core_type<tc>, window_params = [{transform_indices = @transform_0, window_bounds = array<i64: 64, 768>}, {transform_indices = @transform_1, window_bounds = array<i64: 1, 768, 768>}, {transform_indices = @transform_2, window_bounds = array<i64: 1, 768, 768>}, {transform_indices = @transform_3, window_bounds = array<i64: 1, 768, 768>}, {transform_indices = @transform_4, window_bounds = array<i64: 64, 768>}]} {
    %get3A = arith.constant 0 : index
    %get3A_0 = memref.load %arg2[%get3A] : memref<1xi32, #tpu.memory_space<smem>>
    %lt3A = arith.cmpi slt, %arg0, %get3A_0 : i32
    %convert_element_type3A = arith.extui %lt3A : i1 to i32
    %cond3A = arith.constant 0 : i32
    %cond3A_1 = arith.cmpi ne, %convert_element_type3A, %cond3A : i32
    scf.if %cond3A_1 {
      %get3A_2 = arith.constant 0 : index
      %get3A_3 = arith.constant 0 : index
      %get3A_4 = vector.load %arg3[%get3A_2, %get3A_3] : memref<64x768xf32, #tpu.memory_space<vmem>>, vector<64x768xf32>
      %get3A_5 = arith.constant 0 : index
      %get3A_6 = arith.constant 0 : index
      %get3A_7 = arith.constant 0 : index
      %get3A_8 = vector.load %arg4[%get3A_5, %get3A_6, %get3A_7] : memref<1x768x768xf32, #tpu.memory_space<vmem>>, vector<1x768x768xf32>
      %get3A_9 = vector.shape_cast %get3A_8 : vector<1x768x768xf32> to vector<768x768xf32>
      %dot_general3A = arith.constant dense<0.000000e+00> : vector<64x768xf32>
      %dot_general3A_10 = tpu.matmul %get3A_4, %get3A_9, %dot_general3A {dimension_numbers = #tpu.dot_dimension_numbers<[1], [1], [0], [0], [0, 0, 1, 0], [], []>, transpose_lhs_hint = false} : vector<64x768xf32>, vector<768x768xf32>, vector<64x768xf32> -> vector<64x768xf32>
      %get3A_11 = arith.constant 0 : index
      %get3A_12 = arith.constant 0 : index
      %get3A_13 = arith.constant 0 : index
      %get3A_14 = vector.load %arg5[%get3A_11, %get3A_12, %get3A_13] : memref<1x768x768xf32, #tpu.memory_space<vmem>>, vector<1x768x768xf32>
      %get3A_15 = vector.shape_cast %get3A_14 : vector<1x768x768xf32> to vector<768x768xf32>
      %dot_general3A_16 = arith.constant dense<0.000000e+00> : vector<64x768xf32>
      %dot_general3A_17 = tpu.matmul %get3A_4, %get3A_15, %dot_general3A_16 {dimension_numbers = #tpu.dot_dimension_numbers<[1], [1], [0], [0], [0, 0, 1, 0], [], []>, transpose_lhs_hint = false} : vector<64x768xf32>, vector<768x768xf32>, vector<64x768xf32> -> vector<64x768xf32>
      %logistic3A = arith.negf %dot_general3A_10 : vector<64x768xf32>
      %logistic3A_18 = math.exp %logistic3A : vector<64x768xf32>
      %logistic3A_19 = arith.constant 1.000000e+00 : f32
      %logistic3A_20 = vector.broadcast %logistic3A_19 : f32 to vector<64x768xf32>
      %logistic3A_21 = arith.addf %logistic3A_20, %logistic3A_18 : vector<64x768xf32>
      %logistic3A_22 = arith.divf %logistic3A_20, %logistic3A_21 : vector<64x768xf32>
      %mul3A = arith.mulf %dot_general3A_10, %logistic3A_22 : vector<64x768xf32>
      %mul3A_23 = arith.mulf %mul3A, %dot_general3A_17 : vector<64x768xf32>
      %get3A_24 = arith.constant 0 : index
      %get3A_25 = arith.constant 0 : index
      %get3A_26 = arith.constant 0 : index
      %get3A_27 = vector.load %arg6[%get3A_24, %get3A_25, %get3A_26] : memref<1x768x768xf32, #tpu.memory_space<vmem>>, vector<1x768x768xf32>
      %get3A_28 = vector.shape_cast %get3A_27 : vector<1x768x768xf32> to vector<768x768xf32>
      %dot_general3A_29 = arith.constant dense<0.000000e+00> : vector<64x768xf32>
      %dot_general3A_30 = tpu.matmul %mul3A_23, %get3A_28, %dot_general3A_29 {dimension_numbers = #tpu.dot_dimension_numbers<[1], [1], [0], [0], [0, 0, 1, 0], [], []>, transpose_lhs_hint = false} : vector<64x768xf32>, vector<768x768xf32>, vector<64x768xf32> -> vector<64x768xf32>
      %mul3A_31 = arith.constant 0.288675129 : f32
      %mul3A_32 = vector.broadcast %mul3A_31 : f32 to vector<64x768xf32>
      %mul3A_33 = arith.mulf %dot_general3A_30, %mul3A_32 : vector<64x768xf32>
      %swap3A = arith.constant 0 : index
      %swap3A_34 = arith.constant 0 : index
      %swap3A_35 = vector.load %arg7[%swap3A, %swap3A_34] : memref<64x768xf32, #tpu.memory_space<vmem>>, vector<64x768xf32>
      tpu.vector_store %arg7[%swap3A, %swap3A_34], %mul3A_33 {strides = array<i32>} : memref<64x768xf32, #tpu.memory_space<vmem>>, vector<64x768xf32>,
    } else {
    }
    return
  }
  func.func @transform_0(%arg0: i32, %arg1: memref<128xi32, #tpu.memory_space<smem>>, %arg2: memref<1xi32, #tpu.memory_space<smem>>) -> (i32, i32) {
    %c0_i32 = arith.constant 0 : i32
    %c0_i32_0 = arith.constant 0 : i32
    return %arg0, %c0_i32 : i32, i32
  }
  func.func @transform_1(%arg0: i32, %arg1: memref<128xi32, #tpu.memory_space<smem>>, %arg2: memref<1xi32, #tpu.memory_space<smem>>) -> (i32, i32, i32) {
    %get3A = arith.index_cast %arg0 : i32 to index
    %get3A_0 = memref.load %arg1[%get3A] : memref<128xi32, #tpu.memory_space<smem>>
    %c0_i32 = arith.constant 0 : i32
    %c0_i32_1 = arith.constant 0 : i32
    %c0_i32_2 = arith.constant 0 : i32
    return %get3A_0, %c0_i32, %c0_i32_1 : i32, i32, i32
  }
  func.func @transform_2(%arg0: i32, %arg1: memref<128xi32, #tpu.memory_space<smem>>, %arg2: memref<1xi32, #tpu.memory_space<smem>>) -> (i32, i32, i32) {
    %get3A = arith.index_cast %arg0 : i32 to index
    %get3A_0 = memref.load %arg1[%get3A] : memref<128xi32, #tpu.memory_space<smem>>
    %c0_i32 = arith.constant 0 : i32
    %c0_i32_1 = arith.constant 0 : i32
    %c0_i32_2 = arith.constant 0 : i32
    return %get3A_0, %c0_i32, %c0_i32_1 : i32, i32, i32
  }
  func.func @transform_3(%arg0: i32, %arg1: memref<128xi32, #tpu.memory_space<smem>>, %arg2: memref<1xi32, #tpu.memory_space<smem>>) -> (i32, i32, i32) {
    %get3A = arith.index_cast %arg0 : i32 to index
    %get3A_0 = memref.load %arg1[%get3A] : memref<128xi32, #tpu.memory_space<smem>>
    %c0_i32 = arith.constant 0 : i32
    %c0_i32_1 = arith.constant 0 : i32
    %c0_i32_2 = arith.constant 0 : i32
    return %get3A_0, %c0_i32, %c0_i32_1 : i32, i32, i32
  }
  func.func @transform_4(%arg0: i32, %arg1: memref<128xi32, #tpu.memory_space<smem>>, %arg2: memref<1xi32, #tpu.memory_space<smem>>) -> (i32, i32) {
    %c0_i32 = arith.constant 0 : i32
    %c0_i32_0 = arith.constant 0 : i32
    return %arg0, %c0_i32 : i32, i32
  }
}

module attributes {stable_mosaic.version = 14 : i64} {
  func.func @_router_body(%arg0: memref<2048x768xf32, #tpu.memory_space<vmem>>, %arg1: memref<64x768xf32, #tpu.memory_space<vmem>>, %arg2: memref<2048x1xi32, #tpu.memory_space<vmem>>, %arg3: memref<2048x1xi32, #tpu.memory_space<vmem>>, %arg4: memref<2048x1xf32, #tpu.memory_space<vmem>>, %arg5: memref<2048x1xf32, #tpu.memory_space<vmem>>, %arg6: memref<1x128xi32, #tpu.memory_space<vmem>>, %arg7: memref<1x1xi32, #tpu.memory_space<vmem>>) attributes {dimension_semantics = [], scalar_prefetch = 0 : i64, scratch_operands = 0 : i64, tpu.core_type = #tpu.core_type<tc>} {
    %get3A = arith.constant 0 : index
    %get3A_0 = arith.constant 0 : index
    %get3A_1 = vector.load %arg0[%get3A, %get3A_0] : memref<2048x768xf32, #tpu.memory_space<vmem>>, vector<2048x768xf32>
    %get3A_2 = arith.constant 0 : index
    %get3A_3 = arith.constant 0 : index
    %get3A_4 = vector.load %arg1[%get3A_2, %get3A_3] : memref<64x768xf32, #tpu.memory_space<vmem>>, vector<64x768xf32>
    %dot_general3A = arith.constant dense<0.000000e+00> : vector<2048x64xf32>
    %dot_general3A_5 = tpu.matmul %get3A_1, %get3A_4, %dot_general3A {dimension_numbers = #tpu.dot_dimension_numbers<[1], [1], [0], [0], [0, 0, 1, 0], [], []>, transpose_lhs_hint = false} : vector<2048x768xf32>, vector<64x768xf32>, vector<2048x64xf32> -> vector<2048x64xf32>
    %iota3A = tpu.iota {dimensions = array<i32: 1>} : vector<2048x64xi32>
    %reduce_max3A = arith.constant dense<0xFF800000> : vector<2048xf32>
    %reduce_max3A_6 = vector.multi_reduction <maximumf>, %dot_general3A_5, %reduce_max3A [1] : vector<2048x64xf32> to vector<2048xf32>
    %broadcast_in_dim3A = vector.shape_cast %reduce_max3A_6 : vector<2048xf32> to vector<2048x1xf32>
    %argmax3A = tpu.reduce_index %dot_general3A_5 {axis = 1 : i32, kind = #tpu.reduction_kind<arg_max>} : vector<2048x64xf32> -> vector<2048xi32>
    %broadcast_in_dim3A_7 = vector.shape_cast %argmax3A : vector<2048xi32> to vector<2048x1xi32>
    %eq3A = vector.broadcast %broadcast_in_dim3A_7 : vector<2048x1xi32> to vector<2048x64xi32>
    %eq3A_8 = arith.cmpi eq, %iota3A, %eq3A : vector<2048x64xi32>
    %jit3A = arith.constant -1.000000e+30 : f32
    %broadcast_in_dim3A_9 = vector.broadcast %jit3A : f32 to vector<2048x64xf32>
    %select_n3A = arith.select %eq3A_8, %broadcast_in_dim3A_9, %dot_general3A_5 : vector<2048x64xi1>, vector<2048x64xf32>
    %reduce_max3A_10 = arith.constant dense<0xFF800000> : vector<2048xf32>
    %reduce_max3A_11 = vector.multi_reduction <maximumf>, %select_n3A, %reduce_max3A_10 [1] : vector<2048x64xf32> to vector<2048xf32>
    %broadcast_in_dim3A_12 = vector.shape_cast %reduce_max3A_11 : vector<2048xf32> to vector<2048x1xf32>
    %argmax3A_13 = tpu.reduce_index %select_n3A {axis = 1 : i32, kind = #tpu.reduction_kind<arg_max>} : vector<2048x64xf32> -> vector<2048xi32>
    %broadcast_in_dim3A_14 = vector.shape_cast %argmax3A_13 : vector<2048xi32> to vector<2048x1xi32>
    %sub3A = arith.subf %broadcast_in_dim3A, %broadcast_in_dim3A_12 : vector<2048x1xf32>
    %logistic3A = arith.negf %sub3A : vector<2048x1xf32>
    %logistic3A_15 = math.exp %logistic3A : vector<2048x1xf32>
    %logistic3A_16 = arith.constant 1.000000e+00 : f32
    %logistic3A_17 = vector.broadcast %logistic3A_16 : f32 to vector<2048x1xf32>
    %logistic3A_18 = arith.addf %logistic3A_17, %logistic3A_15 : vector<2048x1xf32>
    %logistic3A_19 = arith.divf %logistic3A_17, %logistic3A_18 : vector<2048x1xf32>
    %swap3A = arith.constant 0 : index
    %swap3A_20 = arith.constant 0 : index
    %swap3A_21 = vector.load %arg4[%swap3A, %swap3A_20] : memref<2048x1xf32, #tpu.memory_space<vmem>>, vector<2048x1xf32>
    tpu.vector_store %arg4[%swap3A, %swap3A_20], %logistic3A_19 {strides = array<i32>} : memref<2048x1xf32, #tpu.memory_space<vmem>>, vector<2048x1xf32>,
    %sub3A_22 = arith.constant 1.000000e+00 : f32
    %sub3A_23 = vector.broadcast %sub3A_22 : f32 to vector<2048x1xf32>
    %sub3A_24 = arith.subf %sub3A_23, %logistic3A_19 : vector<2048x1xf32>
    %swap3A_25 = arith.constant 0 : index
    %swap3A_26 = arith.constant 0 : index
    %swap3A_27 = vector.load %arg5[%swap3A_25, %swap3A_26] : memref<2048x1xf32, #tpu.memory_space<vmem>>, vector<2048x1xf32>
    tpu.vector_store %arg5[%swap3A_25, %swap3A_26], %sub3A_24 {strides = array<i32>} : memref<2048x1xf32, #tpu.memory_space<vmem>>, vector<2048x1xf32>,
    %eq3A_28 = vector.broadcast %broadcast_in_dim3A_7 : vector<2048x1xi32> to vector<2048x64xi32>
    %eq3A_29 = arith.cmpi eq, %iota3A, %eq3A_28 : vector<2048x64xi32>
    %convert_element_type3A = arith.extui %eq3A_29 : vector<2048x64xi1> to vector<2048x64xi32>
    %convert_element_type3A_30 = arith.sitofp %convert_element_type3A : vector<2048x64xi32> to vector<2048x64xf32>
    %eq3A_31 = vector.broadcast %broadcast_in_dim3A_14 : vector<2048x1xi32> to vector<2048x64xi32>
    %eq3A_32 = arith.cmpi eq, %iota3A, %eq3A_31 : vector<2048x64xi32>
    %convert_element_type3A_33 = arith.extui %eq3A_32 : vector<2048x64xi1> to vector<2048x64xi32>
    %convert_element_type3A_34 = arith.sitofp %convert_element_type3A_33 : vector<2048x64xi32> to vector<2048x64xf32>
    %broadcast_in_dim3A_35 = arith.constant 0.000000e+00 : f32
    %broadcast_in_dim3A_36 = vector.broadcast %broadcast_in_dim3A_35 : f32 to vector<1x64xf32>
    %slice3A = vector.extract_strided_slice %convert_element_type3A_30 {offsets = [0, 0], sizes = [2047, 64], strides = [1, 1]} : vector<2048x64xf32> to vector<2047x64xf32>
    %concatenate3A = tpu.concatenate %broadcast_in_dim3A_36, %slice3A in 0 : vector<1x64xf32>, vector<2047x64xf32> -> vector<2048x64xf32>
    %add3A = arith.addf %convert_element_type3A_30, %concatenate3A : vector<2048x64xf32>
    %broadcast_in_dim3A_37 = arith.constant 0.000000e+00 : f32
    %broadcast_in_dim3A_38 = vector.broadcast %broadcast_in_dim3A_37 : f32 to vector<2x64xf32>
    %slice3A_39 = vector.extract_strided_slice %add3A {offsets = [0, 0], sizes = [2046, 64], strides = [1, 1]} : vector<2048x64xf32> to vector<2046x64xf32>
    %concatenate3A_40 = tpu.concatenate %broadcast_in_dim3A_38, %slice3A_39 in 0 : vector<2x64xf32>, vector<2046x64xf32> -> vector<2048x64xf32>
    %add3A_41 = arith.addf %add3A, %concatenate3A_40 : vector<2048x64xf32>
    %broadcast_in_dim3A_42 = arith.constant 0.000000e+00 : f32
    %broadcast_in_dim3A_43 = vector.broadcast %broadcast_in_dim3A_42 : f32 to vector<4x64xf32>
    %slice3A_44 = vector.extract_strided_slice %add3A_41 {offsets = [0, 0], sizes = [2044, 64], strides = [1, 1]} : vector<2048x64xf32> to vector<2044x64xf32>
    %concatenate3A_45 = tpu.concatenate %broadcast_in_dim3A_43, %slice3A_44 in 0 : vector<4x64xf32>, vector<2044x64xf32> -> vector<2048x64xf32>
    %add3A_46 = arith.addf %add3A_41, %concatenate3A_45 : vector<2048x64xf32>
    %broadcast_in_dim3A_47 = arith.constant 0.000000e+00 : f32
    %broadcast_in_dim3A_48 = vector.broadcast %broadcast_in_dim3A_47 : f32 to vector<8x64xf32>
    %slice3A_49 = vector.extract_strided_slice %add3A_46 {offsets = [0, 0], sizes = [2040, 64], strides = [1, 1]} : vector<2048x64xf32> to vector<2040x64xf32>
    %concatenate3A_50 = tpu.concatenate %broadcast_in_dim3A_48, %slice3A_49 in 0 : vector<8x64xf32>, vector<2040x64xf32> -> vector<2048x64xf32>
    %add3A_51 = arith.addf %add3A_46, %concatenate3A_50 : vector<2048x64xf32>
    %broadcast_in_dim3A_52 = arith.constant 0.000000e+00 : f32
    %broadcast_in_dim3A_53 = vector.broadcast %broadcast_in_dim3A_52 : f32 to vector<16x64xf32>
    %slice3A_54 = vector.extract_strided_slice %add3A_51 {offsets = [0, 0], sizes = [2032, 64], strides = [1, 1]} : vector<2048x64xf32> to vector<2032x64xf32>
    %concatenate3A_55 = tpu.concatenate %broadcast_in_dim3A_53, %slice3A_54 in 0 : vector<16x64xf32>, vector<2032x64xf32> -> vector<2048x64xf32>
    %add3A_56 = arith.addf %add3A_51, %concatenate3A_55 : vector<2048x64xf32>
    %broadcast_in_dim3A_57 = arith.constant 0.000000e+00 : f32
    %broadcast_in_dim3A_58 = vector.broadcast %broadcast_in_dim3A_57 : f32 to vector<32x64xf32>
    %slice3A_59 = vector.extract_strided_slice %add3A_56 {offsets = [0, 0], sizes = [2016, 64], strides = [1, 1]} : vector<2048x64xf32> to vector<2016x64xf32>
    %concatenate3A_60 = tpu.concatenate %broadcast_in_dim3A_58, %slice3A_59 in 0 : vector<32x64xf32>, vector<2016x64xf32> -> vector<2048x64xf32>
    %add3A_61 = arith.addf %add3A_56, %concatenate3A_60 : vector<2048x64xf32>
    %broadcast_in_dim3A_62 = arith.constant 0.000000e+00 : f32
    %broadcast_in_dim3A_63 = vector.broadcast %broadcast_in_dim3A_62 : f32 to vector<64x64xf32>
    %slice3A_64 = vector.extract_strided_slice %add3A_61 {offsets = [0, 0], sizes = [1984, 64], strides = [1, 1]} : vector<2048x64xf32> to vector<1984x64xf32>
    %concatenate3A_65 = tpu.concatenate %broadcast_in_dim3A_63, %slice3A_64 in 0 : vector<64x64xf32>, vector<1984x64xf32> -> vector<2048x64xf32>
    %add3A_66 = arith.addf %add3A_61, %concatenate3A_65 : vector<2048x64xf32>
    %broadcast_in_dim3A_67 = arith.constant 0.000000e+00 : f32
    %broadcast_in_dim3A_68 = vector.broadcast %broadcast_in_dim3A_67 : f32 to vector<128x64xf32>
    %slice3A_69 = vector.extract_strided_slice %add3A_66 {offsets = [0, 0], sizes = [1920, 64], strides = [1, 1]} : vector<2048x64xf32> to vector<1920x64xf32>
    %concatenate3A_70 = tpu.concatenate %broadcast_in_dim3A_68, %slice3A_69 in 0 : vector<128x64xf32>, vector<1920x64xf32> -> vector<2048x64xf32>
    %add3A_71 = arith.addf %add3A_66, %concatenate3A_70 : vector<2048x64xf32>
    %broadcast_in_dim3A_72 = arith.constant 0.000000e+00 : f32
    %broadcast_in_dim3A_73 = vector.broadcast %broadcast_in_dim3A_72 : f32 to vector<256x64xf32>
    %slice3A_74 = vector.extract_strided_slice %add3A_71 {offsets = [0, 0], sizes = [1792, 64], strides = [1, 1]} : vector<2048x64xf32> to vector<1792x64xf32>
    %concatenate3A_75 = tpu.concatenate %broadcast_in_dim3A_73, %slice3A_74 in 0 : vector<256x64xf32>, vector<1792x64xf32> -> vector<2048x64xf32>
    %add3A_76 = arith.addf %add3A_71, %concatenate3A_75 : vector<2048x64xf32>
    %broadcast_in_dim3A_77 = arith.constant 0.000000e+00 : f32
    %broadcast_in_dim3A_78 = vector.broadcast %broadcast_in_dim3A_77 : f32 to vector<512x64xf32>
    %slice3A_79 = vector.extract_strided_slice %add3A_76 {offsets = [0, 0], sizes = [1536, 64], strides = [1, 1]} : vector<2048x64xf32> to vector<1536x64xf32>
    %concatenate3A_80 = tpu.concatenate %broadcast_in_dim3A_78, %slice3A_79 in 0 : vector<512x64xf32>, vector<1536x64xf32> -> vector<2048x64xf32>
    %add3A_81 = arith.addf %add3A_76, %concatenate3A_80 : vector<2048x64xf32>
    %broadcast_in_dim3A_82 = arith.constant 0.000000e+00 : f32
    %broadcast_in_dim3A_83 = vector.broadcast %broadcast_in_dim3A_82 : f32 to vector<1024x64xf32>
    %slice3A_84 = vector.extract_strided_slice %add3A_81 {offsets = [0, 0], sizes = [1024, 64], strides = [1, 1]} : vector<2048x64xf32> to vector<1024x64xf32>
    %concatenate3A_85 = tpu.concatenate %broadcast_in_dim3A_83, %slice3A_84 in 0 : vector<1024x64xf32>, vector<1024x64xf32> -> vector<2048x64xf32>
    %add3A_86 = arith.addf %add3A_81, %concatenate3A_85 : vector<2048x64xf32>
    %broadcast_in_dim3A_87 = arith.constant 0.000000e+00 : f32
    %broadcast_in_dim3A_88 = vector.broadcast %broadcast_in_dim3A_87 : f32 to vector<1x64xf32>
    %slice3A_89 = vector.extract_strided_slice %convert_element_type3A_34 {offsets = [0, 0], sizes = [2047, 64], strides = [1, 1]} : vector<2048x64xf32> to vector<2047x64xf32>
    %concatenate3A_90 = tpu.concatenate %broadcast_in_dim3A_88, %slice3A_89 in 0 : vector<1x64xf32>, vector<2047x64xf32> -> vector<2048x64xf32>
    %add3A_91 = arith.addf %convert_element_type3A_34, %concatenate3A_90 : vector<2048x64xf32>
    %broadcast_in_dim3A_92 = arith.constant 0.000000e+00 : f32
    %broadcast_in_dim3A_93 = vector.broadcast %broadcast_in_dim3A_92 : f32 to vector<2x64xf32>
    %slice3A_94 = vector.extract_strided_slice %add3A_91 {offsets = [0, 0], sizes = [2046, 64], strides = [1, 1]} : vector<2048x64xf32> to vector<2046x64xf32>
    %concatenate3A_95 = tpu.concatenate %broadcast_in_dim3A_93, %slice3A_94 in 0 : vector<2x64xf32>, vector<2046x64xf32> -> vector<2048x64xf32>
    %add3A_96 = arith.addf %add3A_91, %concatenate3A_95 : vector<2048x64xf32>
    %broadcast_in_dim3A_97 = arith.constant 0.000000e+00 : f32
    %broadcast_in_dim3A_98 = vector.broadcast %broadcast_in_dim3A_97 : f32 to vector<4x64xf32>
    %slice3A_99 = vector.extract_strided_slice %add3A_96 {offsets = [0, 0], sizes = [2044, 64], strides = [1, 1]} : vector<2048x64xf32> to vector<2044x64xf32>
    %concatenate3A_100 = tpu.concatenate %broadcast_in_dim3A_98, %slice3A_99 in 0 : vector<4x64xf32>, vector<2044x64xf32> -> vector<2048x64xf32>
    %add3A_101 = arith.addf %add3A_96, %concatenate3A_100 : vector<2048x64xf32>
    %broadcast_in_dim3A_102 = arith.constant 0.000000e+00 : f32
    %broadcast_in_dim3A_103 = vector.broadcast %broadcast_in_dim3A_102 : f32 to vector<8x64xf32>
    %slice3A_104 = vector.extract_strided_slice %add3A_101 {offsets = [0, 0], sizes = [2040, 64], strides = [1, 1]} : vector<2048x64xf32> to vector<2040x64xf32>
    %concatenate3A_105 = tpu.concatenate %broadcast_in_dim3A_103, %slice3A_104 in 0 : vector<8x64xf32>, vector<2040x64xf32> -> vector<2048x64xf32>
    %add3A_106 = arith.addf %add3A_101, %concatenate3A_105 : vector<2048x64xf32>
    %broadcast_in_dim3A_107 = arith.constant 0.000000e+00 : f32
    %broadcast_in_dim3A_108 = vector.broadcast %broadcast_in_dim3A_107 : f32 to vector<16x64xf32>
    %slice3A_109 = vector.extract_strided_slice %add3A_106 {offsets = [0, 0], sizes = [2032, 64], strides = [1, 1]} : vector<2048x64xf32> to vector<2032x64xf32>
    %concatenate3A_110 = tpu.concatenate %broadcast_in_dim3A_108, %slice3A_109 in 0 : vector<16x64xf32>, vector<2032x64xf32> -> vector<2048x64xf32>
    %add3A_111 = arith.addf %add3A_106, %concatenate3A_110 : vector<2048x64xf32>
    %broadcast_in_dim3A_112 = arith.constant 0.000000e+00 : f32
    %broadcast_in_dim3A_113 = vector.broadcast %broadcast_in_dim3A_112 : f32 to vector<32x64xf32>
    %slice3A_114 = vector.extract_strided_slice %add3A_111 {offsets = [0, 0], sizes = [2016, 64], strides = [1, 1]} : vector<2048x64xf32> to vector<2016x64xf32>
    %concatenate3A_115 = tpu.concatenate %broadcast_in_dim3A_113, %slice3A_114 in 0 : vector<32x64xf32>, vector<2016x64xf32> -> vector<2048x64xf32>
    %add3A_116 = arith.addf %add3A_111, %concatenate3A_115 : vector<2048x64xf32>
    %broadcast_in_dim3A_117 = arith.constant 0.000000e+00 : f32
    %broadcast_in_dim3A_118 = vector.broadcast %broadcast_in_dim3A_117 : f32 to vector<64x64xf32>
    %slice3A_119 = vector.extract_strided_slice %add3A_116 {offsets = [0, 0], sizes = [1984, 64], strides = [1, 1]} : vector<2048x64xf32> to vector<1984x64xf32>
    %concatenate3A_120 = tpu.concatenate %broadcast_in_dim3A_118, %slice3A_119 in 0 : vector<64x64xf32>, vector<1984x64xf32> -> vector<2048x64xf32>
    %add3A_121 = arith.addf %add3A_116, %concatenate3A_120 : vector<2048x64xf32>
    %broadcast_in_dim3A_122 = arith.constant 0.000000e+00 : f32
    %broadcast_in_dim3A_123 = vector.broadcast %broadcast_in_dim3A_122 : f32 to vector<128x64xf32>
    %slice3A_124 = vector.extract_strided_slice %add3A_121 {offsets = [0, 0], sizes = [1920, 64], strides = [1, 1]} : vector<2048x64xf32> to vector<1920x64xf32>
    %concatenate3A_125 = tpu.concatenate %broadcast_in_dim3A_123, %slice3A_124 in 0 : vector<128x64xf32>, vector<1920x64xf32> -> vector<2048x64xf32>
    %add3A_126 = arith.addf %add3A_121, %concatenate3A_125 : vector<2048x64xf32>
    %broadcast_in_dim3A_127 = arith.constant 0.000000e+00 : f32
    %broadcast_in_dim3A_128 = vector.broadcast %broadcast_in_dim3A_127 : f32 to vector<256x64xf32>
    %slice3A_129 = vector.extract_strided_slice %add3A_126 {offsets = [0, 0], sizes = [1792, 64], strides = [1, 1]} : vector<2048x64xf32> to vector<1792x64xf32>
    %concatenate3A_130 = tpu.concatenate %broadcast_in_dim3A_128, %slice3A_129 in 0 : vector<256x64xf32>, vector<1792x64xf32> -> vector<2048x64xf32>
    %add3A_131 = arith.addf %add3A_126, %concatenate3A_130 : vector<2048x64xf32>
    %broadcast_in_dim3A_132 = arith.constant 0.000000e+00 : f32
    %broadcast_in_dim3A_133 = vector.broadcast %broadcast_in_dim3A_132 : f32 to vector<512x64xf32>
    %slice3A_134 = vector.extract_strided_slice %add3A_131 {offsets = [0, 0], sizes = [1536, 64], strides = [1, 1]} : vector<2048x64xf32> to vector<1536x64xf32>
    %concatenate3A_135 = tpu.concatenate %broadcast_in_dim3A_133, %slice3A_134 in 0 : vector<512x64xf32>, vector<1536x64xf32> -> vector<2048x64xf32>
    %add3A_136 = arith.addf %add3A_131, %concatenate3A_135 : vector<2048x64xf32>
    %broadcast_in_dim3A_137 = arith.constant 0.000000e+00 : f32
    %broadcast_in_dim3A_138 = vector.broadcast %broadcast_in_dim3A_137 : f32 to vector<1024x64xf32>
    %slice3A_139 = vector.extract_strided_slice %add3A_136 {offsets = [0, 0], sizes = [1024, 64], strides = [1, 1]} : vector<2048x64xf32> to vector<1024x64xf32>
    %concatenate3A_140 = tpu.concatenate %broadcast_in_dim3A_138, %slice3A_139 in 0 : vector<1024x64xf32>, vector<1024x64xf32> -> vector<2048x64xf32>
    %add3A_141 = arith.addf %add3A_136, %concatenate3A_140 : vector<2048x64xf32>
    %sub3A_142 = arith.constant 1.000000e+00 : f32
    %sub3A_143 = vector.broadcast %sub3A_142 : f32 to vector<2048x64xf32>
    %sub3A_144 = arith.subf %add3A_86, %sub3A_143 : vector<2048x64xf32>
    %add3A_145 = arith.addf %sub3A_144, %add3A_141 : vector<2048x64xf32>
    %mul3A = arith.mulf %convert_element_type3A_30, %add3A_145 : vector<2048x64xf32>
    %reduce_sum3A = arith.constant dense<0.000000e+00> : vector<2048xf32>
    %reduce_sum3A_146 = vector.multi_reduction <add>, %mul3A, %reduce_sum3A [1] : vector<2048x64xf32> to vector<2048xf32>
    %broadcast_in_dim3A_147 = vector.shape_cast %reduce_sum3A_146 : vector<2048xf32> to vector<2048x1xf32>
    %sub3A_148 = arith.constant 1.000000e+00 : f32
    %sub3A_149 = vector.broadcast %sub3A_148 : f32 to vector<2048x64xf32>
    %sub3A_150 = arith.subf %add3A_141, %sub3A_149 : vector<2048x64xf32>
    %add3A_151 = arith.addf %sub3A_150, %add3A_86 : vector<2048x64xf32>
    %mul3A_152 = arith.mulf %convert_element_type3A_34, %add3A_151 : vector<2048x64xf32>
    %reduce_sum3A_153 = arith.constant dense<0.000000e+00> : vector<2048xf32>
    %reduce_sum3A_154 = vector.multi_reduction <add>, %mul3A_152, %reduce_sum3A_153 [1] : vector<2048x64xf32> to vector<2048xf32>
    %broadcast_in_dim3A_155 = vector.shape_cast %reduce_sum3A_154 : vector<2048xf32> to vector<2048x1xf32>
    %slice3A_156 = vector.extract_strided_slice %add3A_86 {offsets = [2047, 0], sizes = [1, 64], strides = [1, 1]} : vector<2048x64xf32> to vector<1x64xf32>
    %slice3A_157 = vector.extract_strided_slice %add3A_141 {offsets = [2047, 0], sizes = [1, 64], strides = [1, 1]} : vector<2048x64xf32> to vector<1x64xf32>
    %add3A_158 = arith.addf %slice3A_156, %slice3A_157 : vector<1x64xf32>
    %add3A_159 = arith.constant 6.300000e+01 : f32
    %add3A_160 = vector.broadcast %add3A_159 : f32 to vector<1x64xf32>
    %add3A_161 = arith.addf %add3A_158, %add3A_160 : vector<1x64xf32>
    %jit3A_162 = arith.constant 64 : i32
    %convert_element_type3A_163 = arith.sitofp %jit3A_162 : i32 to f32
    %rem3A = vector.broadcast %convert_element_type3A_163 : f32 to vector<1x64xf32>
    %rem3A_164 = arith.remf %add3A_161, %rem3A : vector<1x64xf32>
    %eq3A_165 = arith.constant 0.000000e+00 : f32
    %eq3A_166 = arith.cmpf oeq, %convert_element_type3A_163, %eq3A_165 : f32
    %sub3A_167 = arith.subf %add3A_161, %rem3A_164 : vector<1x64xf32>
    %select_n3A_168 = arith.select %eq3A_166, %add3A_161, %sub3A_167 : vector<1x64xf32>
    %div3A = vector.broadcast %convert_element_type3A_163 : f32 to vector<1x64xf32>
    %div3A_169 = arith.divf %select_n3A_168, %div3A : vector<1x64xf32>
    %ne3A = arith.constant 0.000000e+00 : f32
    %ne3A_170 = vector.broadcast %ne3A : f32 to vector<1x64xf32>
    %ne3A_171 = arith.cmpf one, %rem3A_164, %ne3A_170 : vector<1x64xf32>
    %sign3A = arith.bitcast %convert_element_type3A_163 : f32 to i32
    %sign3A_172 = arith.constant -2147483648 : i32
    %sign3A_173 = arith.andi %sign3A, %sign3A_172 : i32
    %sign3A_174 = arith.constant 1065353216 : i32
    %sign3A_175 = arith.ori %sign3A_174, %sign3A_173 : i32
    %sign3A_176 = arith.bitcast %sign3A_175 : i32 to f32
    %sign3A_177 = math.absf %convert_element_type3A_163 : f32
    %sign3A_178 = arith.constant 0.000000e+00 : f32
    %sign3A_179 = arith.cmpf ogt, %sign3A_177, %sign3A_178 : f32
    %sign3A_180 = arith.select %sign3A_179, %sign3A_176, %convert_element_type3A_163 : f32
    %sign3A_181 = tpu.bitcast %rem3A_164 : vector<1x64xf32> -> vector<1x64xi32>
    %sign3A_182 = arith.constant -2147483648 : i32
    %sign3A_183 = vector.broadcast %sign3A_182 : i32 to vector<1x64xi32>
    %sign3A_184 = arith.andi %sign3A_181, %sign3A_183 : vector<1x64xi32>
    %sign3A_185 = arith.constant 1065353216 : i32
    %sign3A_186 = vector.broadcast %sign3A_185 : i32 to vector<1x64xi32>
    %sign3A_187 = arith.ori %sign3A_186, %sign3A_184 : vector<1x64xi32>
    %sign3A_188 = tpu.bitcast %sign3A_187 : vector<1x64xi32> -> vector<1x64xf32>
    %sign3A_189 = math.absf %rem3A_164 : vector<1x64xf32>
    %sign3A_190 = arith.constant 0.000000e+00 : f32
    %sign3A_191 = vector.broadcast %sign3A_190 : f32 to vector<1x64xf32>
    %sign3A_192 = arith.cmpf ogt, %sign3A_189, %sign3A_191 : vector<1x64xf32>
    %sign3A_193 = arith.select %sign3A_192, %sign3A_188, %rem3A_164 : vector<1x64xi1>, vector<1x64xf32>
    %ne3A_194 = vector.broadcast %sign3A_180 : f32 to vector<1x64xf32>
    %ne3A_195 = arith.cmpf one, %ne3A_194, %sign3A_193 : vector<1x64xf32>
    %and3A = arith.andi %ne3A_171, %ne3A_195 : vector<1x64xi1>
    %sub3A_196 = arith.constant 1.000000e+00 : f32
    %sub3A_197 = vector.broadcast %sub3A_196 : f32 to vector<1x64xf32>
    %sub3A_198 = arith.subf %div3A_169, %sub3A_197 : vector<1x64xf32>
    %select_n3A_199 = arith.select %and3A, %sub3A_198, %div3A_169 : vector<1x64xi1>, vector<1x64xf32>
    %round3A = math.round %select_n3A_199 : vector<1x64xf32>
    %iota3A_200 = tpu.iota {dimensions = array<i32: 0>} : vector<64x64xi32>
    %iota3A_201 = tpu.iota {dimensions = array<i32: 1>} : vector<64x64xi32>
    %lt3A = arith.cmpi slt, %iota3A_200, %iota3A_201 : vector<64x64xi32>
    %convert_element_type3A_202 = arith.extui %lt3A : vector<64x64xi1> to vector<64x64xi32>
    %convert_element_type3A_203 = arith.sitofp %convert_element_type3A_202 : vector<64x64xi32> to vector<64x64xf32>
    %dot_general3A_204 = arith.constant dense<0.000000e+00> : vector<1x64xf32>
    %dot_general3A_205 = tpu.matmul %round3A, %convert_element_type3A_203, %dot_general3A_204 {dimension_numbers = #tpu.dot_dimension_numbers<[1], [0], [0], [1], [0, 0, 1, 1], [], []>, transpose_lhs_hint = false} : vector<1x64xf32>, vector<64x64xf32>, vector<1x64xf32> -> vector<1x64xf32>
    %add3A_206 = arith.addf %dot_general3A_205, %round3A : vector<1x64xf32>
    %slice3A_207 = vector.extract_strided_slice %add3A_206 {offsets = [0, 63], sizes = [1, 1], strides = [1, 1]} : vector<1x64xf32> to vector<1x1xf32>
    %squeeze3A = vector.extract %slice3A_207[0, 0] : f32 from vector<1x1xf32>
    %mul3A_208 = vector.broadcast %dot_general3A_205 : vector<1x64xf32> to vector<2048x64xf32>
    %mul3A_209 = arith.mulf %convert_element_type3A_30, %mul3A_208 : vector<2048x64xf32>
    %reduce_sum3A_210 = arith.constant dense<0.000000e+00> : vector<2048xf32>
    %reduce_sum3A_211 = vector.multi_reduction <add>, %mul3A_209, %reduce_sum3A_210 [1] : vector<2048x64xf32> to vector<2048xf32>
    %broadcast_in_dim3A_212 = vector.shape_cast %reduce_sum3A_211 : vector<2048xf32> to vector<2048x1xf32>
    %mul3A_213 = arith.constant 6.400000e+01 : f32
    %mul3A_214 = vector.broadcast %mul3A_213 : f32 to vector<2048x1xf32>
    %mul3A_215 = arith.mulf %broadcast_in_dim3A_212, %mul3A_214 : vector<2048x1xf32>
    %mul3A_216 = vector.broadcast %dot_general3A_205 : vector<1x64xf32> to vector<2048x64xf32>
    %mul3A_217 = arith.mulf %convert_element_type3A_34, %mul3A_216 : vector<2048x64xf32>
    %reduce_sum3A_218 = arith.constant dense<0.000000e+00> : vector<2048xf32>
    %reduce_sum3A_219 = vector.multi_reduction <add>, %mul3A_217, %reduce_sum3A_218 [1] : vector<2048x64xf32> to vector<2048xf32>
    %broadcast_in_dim3A_220 = vector.shape_cast %reduce_sum3A_219 : vector<2048xf32> to vector<2048x1xf32>
    %mul3A_221 = arith.constant 6.400000e+01 : f32
    %mul3A_222 = vector.broadcast %mul3A_221 : f32 to vector<2048x1xf32>
    %mul3A_223 = arith.mulf %broadcast_in_dim3A_220, %mul3A_222 : vector<2048x1xf32>
    %add3A_224 = arith.addf %mul3A_215, %broadcast_in_dim3A_147 : vector<2048x1xf32>
    %convert_element_type3A_225 = arith.fptosi %add3A_224 : vector<2048x1xf32> to vector<2048x1xi32>
    %swap3A_226 = arith.constant 0 : index
    %swap3A_227 = arith.constant 0 : index
    %swap3A_228 = vector.load %arg2[%swap3A_226, %swap3A_227] : memref<2048x1xi32, #tpu.memory_space<vmem>>, vector<2048x1xi32>
    tpu.vector_store %arg2[%swap3A_226, %swap3A_227], %convert_element_type3A_225 {strides = array<i32>} : memref<2048x1xi32, #tpu.memory_space<vmem>>, vector<2048x1xi32>,
    %add3A_229 = arith.addf %mul3A_223, %broadcast_in_dim3A_155 : vector<2048x1xf32>
    %convert_element_type3A_230 = arith.fptosi %add3A_229 : vector<2048x1xf32> to vector<2048x1xi32>
    %swap3A_231 = arith.constant 0 : index
    %swap3A_232 = arith.constant 0 : index
    %swap3A_233 = vector.load %arg3[%swap3A_231, %swap3A_232] : memref<2048x1xi32, #tpu.memory_space<vmem>>, vector<2048x1xi32>
    tpu.vector_store %arg3[%swap3A_231, %swap3A_232], %convert_element_type3A_230 {strides = array<i32>} : memref<2048x1xi32, #tpu.memory_space<vmem>>, vector<2048x1xi32>,
    %iota3A_234 = tpu.iota {dimensions = array<i32: 0>} : vector<128x64xi32>
    %convert_element_type3A_235 = arith.sitofp %iota3A_234 : vector<128x64xi32> to vector<128x64xf32>
    %broadcast_in_dim3A_236 = vector.shape_cast %add3A_206 : vector<1x64xf32> to vector<1x64xf32>
    %broadcast_in_dim3A_237 = vector.broadcast %broadcast_in_dim3A_236 : vector<1x64xf32> to vector<128x64xf32>
    %le3A = arith.cmpf ole, %broadcast_in_dim3A_237, %convert_element_type3A_235 : vector<128x64xf32>
    %convert_element_type3A_238 = arith.extui %le3A : vector<128x64xi1> to vector<128x64xi32>
    %convert_element_type3A_239 = arith.sitofp %convert_element_type3A_238 : vector<128x64xi32> to vector<128x64xf32>
    %reduce_sum3A_240 = arith.constant dense<0.000000e+00> : vector<128xf32>
    %reduce_sum3A_241 = vector.multi_reduction <add>, %convert_element_type3A_239, %reduce_sum3A_240 [1] : vector<128x64xf32> to vector<128xf32>
    %broadcast_in_dim3A_242 = vector.shape_cast %reduce_sum3A_241 : vector<128xf32> to vector<128x1xf32>
    %sub3A_243 = arith.constant 1.000000e+00 : f32
    %sub3A_244 = arith.subf %squeeze3A, %sub3A_243 : f32
    %le3A_245 = vector.broadcast %sub3A_244 : f32 to vector<1x64xf32>
    %le3A_246 = arith.cmpf ole, %add3A_206, %le3A_245 : vector<1x64xf32>
    %convert_element_type3A_247 = arith.extui %le3A_246 : vector<1x64xi1> to vector<1x64xi32>
    %convert_element_type3A_248 = arith.sitofp %convert_element_type3A_247 : vector<1x64xi32> to vector<1x64xf32>
    %reduce_sum3A_249 = arith.constant dense<0.000000e+00> : vector<1xf32>
    %reduce_sum3A_250 = vector.multi_reduction <add>, %convert_element_type3A_248, %reduce_sum3A_249 [1] : vector<1x64xf32> to vector<1xf32>
    %broadcast_in_dim3A_251 = vector.shape_cast %reduce_sum3A_250 : vector<1xf32> to vector<1x1xf32>
    %min3A = vector.broadcast %broadcast_in_dim3A_251 : vector<1x1xf32> to vector<128x1xf32>
    %min3A_252 = arith.minimumf %broadcast_in_dim3A_242, %min3A : vector<128x1xf32>
    %convert_element_type3A_253 = arith.fptosi %min3A_252 : vector<128x1xf32> to vector<128x1xi32>
    %reshape3A = vector.shape_cast %convert_element_type3A_253 : vector<128x1xi32> to vector<1x128xi32>
    %swap3A_254 = arith.constant 0 : index
    %swap3A_255 = arith.constant 0 : index
    %swap3A_256 = vector.load %arg6[%swap3A_254, %swap3A_255] : memref<1x128xi32, #tpu.memory_space<vmem>>, vector<1x128xi32>
    tpu.vector_store %arg6[%swap3A_254, %swap3A_255], %reshape3A {strides = array<i32>} : memref<1x128xi32, #tpu.memory_space<vmem>>, vector<1x128xi32>,
    %broadcast_in_dim3A_257 = vector.broadcast %squeeze3A : f32 to vector<1x1xf32>
    %convert_element_type3A_258 = arith.fptosi %broadcast_in_dim3A_257 : vector<1x1xf32> to vector<1x1xi32>
    %swap3A_259 = arith.constant 0 : index
    %swap3A_260 = arith.constant 0 : index
    %swap3A_261 = vector.load %arg7[%swap3A_259, %swap3A_260] : memref<1x1xi32, #tpu.memory_space<vmem>>, vector<1x1xi32>
    tpu.vector_store %arg7[%swap3A_259, %swap3A_260], %convert_element_type3A_258 {strides = array<i32>} : memref<1x1xi32, #tpu.memory_space<vmem>>, vector<1x1xi32>,
    return
  }
}

module attributes {stable_mosaic.version = 14 : i64} {
  func.func @_combine_body(%arg0: memref<2048x768xf32, #tpu.memory_space<vmem>>, %arg1: memref<2048x768xf32, #tpu.memory_space<vmem>>, %arg2: memref<2048x1xf32, #tpu.memory_space<vmem>>, %arg3: memref<2048x1xf32, #tpu.memory_space<vmem>>, %arg4: memref<2048x768xf32, #tpu.memory_space<vmem>>) attributes {dimension_semantics = [], scalar_prefetch = 0 : i64, scratch_operands = 0 : i64, tpu.core_type = #tpu.core_type<tc>} {
    %get3A = arith.constant 0 : index
    %get3A_0 = arith.constant 0 : index
    %get3A_1 = vector.load %arg2[%get3A, %get3A_0] : memref<2048x1xf32, #tpu.memory_space<vmem>>, vector<2048x1xf32>
    %get3A_2 = arith.constant 0 : index
    %get3A_3 = arith.constant 0 : index
    %get3A_4 = vector.load %arg0[%get3A_2, %get3A_3] : memref<2048x768xf32, #tpu.memory_space<vmem>>, vector<2048x768xf32>
    %mul3A = vector.broadcast %get3A_1 : vector<2048x1xf32> to vector<2048x768xf32>
    %mul3A_5 = arith.mulf %mul3A, %get3A_4 : vector<2048x768xf32>
    %get3A_6 = arith.constant 0 : index
    %get3A_7 = arith.constant 0 : index
    %get3A_8 = vector.load %arg3[%get3A_6, %get3A_7] : memref<2048x1xf32, #tpu.memory_space<vmem>>, vector<2048x1xf32>
    %get3A_9 = arith.constant 0 : index
    %get3A_10 = arith.constant 0 : index
    %get3A_11 = vector.load %arg1[%get3A_9, %get3A_10] : memref<2048x768xf32, #tpu.memory_space<vmem>>, vector<2048x768xf32>
    %mul3A_12 = vector.broadcast %get3A_8 : vector<2048x1xf32> to vector<2048x768xf32>
    %mul3A_13 = arith.mulf %mul3A_12, %get3A_11 : vector<2048x768xf32>
    %add3A = arith.addf %mul3A_5, %mul3A_13 : vector<2048x768xf32>
    %swap3A = arith.constant 0 : index
    %swap3A_14 = arith.constant 0 : index
    %swap3A_15 = vector.load %arg4[%swap3A, %swap3A_14] : memref<2048x768xf32, #tpu.memory_space<vmem>>, vector<2048x768xf32>
    tpu.vector_store %arg4[%swap3A, %swap3A_14], %add3A {strides = array<i32>} : memref<2048x768xf32, #tpu.memory_space<vmem>>, vector<2048x768xf32>,
    return
  }
}

</mosaic_0001>

<sc_bundles>
// kernel: _moe.10.cloned.1.call-start
scs
__scs_entry_jumppad:
0x0: {  	(pc) =	sbr.rel $0x88, $3  }
0x1: {  	(tag) =	ssettag $0x0;
	lr =	simm.s32 $0x1  }
0x2: {  	[smem:$0x3F9C] =	sst lr;
	_ =	strace $0xD0000000  }
0x3: {  	_ = 	snop  }
0x4: {  	_ = 	snop  }
0x5: {  	_ = 	snop  }
0x6: {  	_ = 	snop  }
0x7: {  	_ = 	snop  }
__scs_overlays_trampoline_lowered:
0x8: {  	[smem:$0x3FAB] =	sst s0  }
0x9: {  	[smem:$0x3FAC] =	sst s1  }
0xa: {  	[smem:$0x3FAD] =	sst s2  }
0xb: {  	[smem:$0x3FAE] =	sst s3  }
0xc: {  	[smem:$0x3FAF] =	sst s4  }
0xd: {  	[smem:$0x3FB0] =	sst s5  }
0xe: {  	[smem:$0x3FB1] =	sst s6  }
0xf: {  	[smem:$0x3FB2] =	sst s7  }
0x10: {  	[smem:$0x3FB3] =	sst s8  }
0x11: {  	[smem:$0x3FB4] =	sst s9;
	s0 =	simm.s32 @!p0 $0x0  }
0x12: {  	s1 =	sld [smem:$0x3F9A];
	s0 =	simm.s32 @p0 $0x1  }
0x13: {  	[smem:$0x3FB5] =	sst s0;
	s0 =	simm.s32 @!p1 $0x0  }
0x14: {  	s2 =	sld [smem:$0x3F99];
	s0 =	simm.s32 @p1 $0x1  }
0x15: {  	[smem:$0x3FB6] =	sst s0;
	s0 =	simm.s32 @!p2 $0x0  }
0x16: {  	s3 =	sld [smem:$0x3FDB];
	s0 =	simm.s32 @p2 $0x1  }
0x17: {  	s4 =	simm.s32 $0x1BF5;
	[smem:$0x3FB8] =	sst s0  }
0x18: {  	s0 =	sld [smem:$0x3F9B];
	_ =	swait.ge [sflag:s4], $0x0  }
0x19: {  	s7 =	sld [smem:$0x3F9C]  }
0x1a: {  	s8 =	sadd.s32 $0xFFFFE003, lr  }
0x1b: {  	s9 =	sadd.s32 $0xFFFFFEF7, lr;
	s5 =	simm.s32 $0xFFFFFFFF;
	p2 =	slt.u32 s8, $0xFFFFF086  }
0x1c: {  	p1 =	slt.u32 s9, $0xF7A;
	s5 =	simm.s32 @!p2 $0x0  }
0x1d: {  	s5 =	simm.s32 @p1 $0x1;
	p0 =	seq.s32 s7, s2  }
0x1e: {  	s7 =	smul.u32 @!p0 $0xF7A, s2;
	p2 =	seq.s32 @!p0 s5, $0x0  }
0x1f: {  	s9 =	smul.u32 $0xF7A, s1;
	s8 =	simm.s32 @!p0 $0x1BF5;
	p2 =	por !p2, p0  }
0x20: {  	[sflag:s8] =	ssyncset.s32 @!p0 $0xFFFFF086;
	s6 =	sadd.s32 @!p0 s3, s7;
	s7 =	simm.s32 @!p0 $0x108  }
0x21: {  	s3 =	sadd.s32 s3, s9;
	s6 =	sadd.s32 @!p0 $0x88, s6;
	s7 =	simm.s32 @p2 $0x1082  }
0x22: {  	[simem:s7], [sflag:s8] =	dma.local @!p0 [hbm:s6], $0xF7A  }
0x23: {  	s9 =	sor.u32 $0xD0000000, s2;
	s6 =	simm.s32 $0x108;
	_ =	swait.ge @!p0 [sflag:s8], $0x0  }
0x24: {  	s3 =	sadd.s32 $0x88, s3;
	s6 =	simm.s32 @!p1 $0x1082;
	[sflag:s4] =	ssyncset.s32 $0xFFFFF086  }
0x25: {  	[simem:s6], [sflag:s4] =	dma.local [hbm:s3], $0xF7A  }
0x26: {  	[smem:$0x3F9C] =	sst s1;
	(tag) =	ssettag s2;
	_ =	strace s9  }
0x27: {  	s1 =	sld [smem:$0x3FAC]  }
0x28: {  	s2 =	sld [smem:$0x3FAD]  }
0x29: {  	s4 =	sld [smem:$0x3FAF]  }
0x2a: {  	p0 =	seq.s32 s5, $0x0;
	s5 =	sld [smem:$0x3FB0]  }
0x2b: {  	s6 =	sld [smem:$0x3FB1]  }
0x2c: {  	s7 =	sld [smem:$0x3FB2]  }
0x2d: {  	s3 =	simm.s32 $0x108;
	s8 =	sld [smem:$0x3FB3]  }
0x2e: {  	s3 =	simm.s32 @!p0 $0x1082;
	s9 =	sld [smem:$0x3FB4]  }
0x2f: {  	lr =	sadd.s32 s0, s3;
	s0 =	sld [smem:$0x3FAB]  }
0x30: {  	s3 =	sld [smem:$0x3FAE]  }
0x31: {  	[smem:$0x3FB7] =	sst s10  }
0x32: {  	s10 =	sld [smem:$0x3FB5];
	_ =	sdelay $0x3  }
0x33: {  	p0 =	seq.s32 s10, $0x1;
	s10 =	sld [smem:$0x3FB7];
	_ =	sdelay $0x3  }
0x34: {  	[smem:$0x3FB7] =	sst s10  }
0x35: {  	s10 =	sld [smem:$0x3FB6];
	_ =	sdelay $0x3  }
0x36: {  	p1 =	seq.s32 s10, $0x1;
	s10 =	sld [smem:$0x3FB7];
	_ =	sdelay $0x3  }
0x37: {  	[smem:$0x3FB7] =	sst s10  }
0x38: {  	s10 =	sld [smem:$0x3FB8]  }
0x39: {  	_ = 	snop;
	(pc) =	sbr.ind lr, $3  }
0x3a: {  	_ = 	snop  }
0x3b: {  	_ = 	snop  }
0x3c: {  	p2 =	seq.s32 s10, $0x1;
	s10 =	sld [smem:$0x3FB7]  }
0x3d: {  	_ =	shalt  }
0x3e: {  	_ =	shalt  }
0x3f: {  	_ =	shalt  }
0x40: {  	_ =	shalt  }
0x41: {  	_ =	shalt  }
0x42: {  	_ =	shalt  }
0x43: {  	_ =	shalt  }
0x44: {  	_ =	shalt  }
0x45: {  	_ =	shalt  }
0x46: {  	_ =	shalt  }
0x47: {  	_ =	shalt  }
0x48: {  	_ =	shalt  }
0x49: {  	_ =	shalt  }
0x4a: {  	_ =	shalt  }
0x4b: {  	_ =	shalt  }
0x4c: {  	_ =	shalt  }
0x4d: {  	_ =	shalt  }
0x4e: {  	_ =	shalt  }
0x4f: {  	_ =	shalt  }
0x50: {  	_ =	shalt  }
0x51: {  	_ =	shalt  }
0x52: {  	_ =	shalt  }
0x53: {  	_ =	shalt  }
0x54: {  	_ =	shalt  }
0x55: {  	_ =	shalt  }
0x56: {  	_ =	shalt  }
0x57: {  	_ =	shalt  }
0x58: {  	_ =	shalt  }
0x59: {  	_ =	shalt  }
0x5a: {  	_ =	shalt  }
0x5b: {  	_ =	shalt  }
0x5c: {  	_ =	shalt  }
0x5d: {  	_ =	shalt  }
0x5e: {  	_ =	shalt  }
0x5f: {  	_ =	shalt  }
0x60: {  	_ =	shalt  }
0x61: {  	_ =	shalt  }
0x62: {  	_ =	shalt  }
0x63: {  	_ =	shalt  }
0x64: {  	_ =	shalt  }
0x65: {  	_ =	shalt  }
0x66: {  	_ =	shalt  }
0x67: {  	_ =	shalt  }
0x68: {  	_ =	shalt  }
0x69: {  	_ =	shalt  }
0x6a: {  	_ =	shalt  }
0x6b: {  	_ =	shalt  }
0x6c: {  	_ =	shalt  }
0x6d: {  	_ =	shalt  }
0x6e: {  	_ =	shalt  }
0x6f: {  	_ =	shalt  }
0x70: {  	_ =	shalt  }
0x71: {  	_ =	shalt  }
0x72: {  	_ =	shalt  }
0x73: {  	_ =	shalt  }
0x74: {  	_ =	shalt  }
0x75: {  	_ =	shalt  }
0x76: {  	_ =	shalt  }
0x77: {  	_ =	shalt  }
0x78: {  	_ =	shalt  }
0x79: {  	_ =	shalt  }
0x7a: {  	_ =	shalt  }
0x7b: {  	_ =	shalt  }
0x7c: {  	_ =	shalt  }
0x7d: {  	_ =	shalt  }
0x7e: {  	_ =	shalt  }
0x7f: {  	_ =	shalt  }
0x80: {  	_ =	shalt  }
0x81: {  	_ =	shalt  }
0x82: {  	_ =	shalt  }
0x83: {  	_ =	shalt  }
0x84: {  	_ =	shalt  }
0x85: {  	_ =	shalt  }
0x86: {  	_ =	shalt  }
0x87: {  	_ =	shalt  }
.Lfunc_end0:
.L_simem_size_0:
called_computation.1_lowered:
.L_overlay_start_0:
0x88: {  	s2 =	sld [smem:$0x3FD9]  }
0x89: {  	s3 =	sld [smem:$0x3FFE];
	_ =	sdelay $0x1  }
0x8a: {  	s1 =	srdreg.scid  }
0x8b: {  	s0 =	sand.u32 $0x1, s1  }
0x8c: {  	s17 =	sshll.u32 s0, $0xA;
	s2 =	sadd.s32 s3, s2  }
0x8d: {  	s2 =	sadd.s32 s2, s17  }
0x8e: {  	[smem:$0x3FC3] =	sst s2  }
0x8f: {  	_ = 	snop  }
0x90: {  	s2 =	sld [smem:$0x3FD0];
	(tm) =	ssettm $0x1  }
0x91: {  	s18 =	sld [smem:$0x3FFB];
	_ =	sdelay $0x3  }
0x92: {  	_ =	strace s18  }
0x93: {  	s3 =	sld [smem:$0x3FFC];
	_ =	sdelay $0x3  }
0x94: {  	_ =	strace s3  }
0x95: {  	s3 =	sld [smem:$0x3FFD];
	_ =	sdelay $0x3  }
0x96: {  	_ =	strace s3  }
0x97: {  	_ =	strace $0x8FFFFFFF  }
0x98: {  	s19 =	sld [smem:$0x3FDB];
	_ =	sdelay $0x1  }
0x99: {  	s4 =	simm.s32 $_scs_section_size  }
0x9a: {  	s5 =	simm.s32 $_size__tile_overlayer_lowered;
	s6 =	simm.s32 $_tile_overlayer_lowered  }
0x9b: {  	s22 =	simm.s32 $0x1BFF;
	s21 =	sshll.u32 s6, $0x1;
	s3 =	sadd.s32 s4, s19  }
0x9c: {  	s7 =	simm.s32 $0x0;
	s20 =	sshll.u32 s5, $0x1;
	s5 =	sadd.s32 s21, s3  }
0x9d: {  	[timem:s7], [sflag:s22] =	dma.local [hbm:s5], s20  }
0x9e: {  	_ =	swait.ge [sflag:s22], s20  }
0x9f: {  	s4 =	ssub.s32 $0x0, s20;
	[sflag:s22] =	ssyncset.done $0x0  }
0xa0: {  	[sflag:s22] =	ssyncadd.s32 s4;
	_ =	sdelay $0x1  }
0xa1: {  	s23 =	simm.s32 $0x1B8B  }
0xa2: {  	_ =	swait.ge [sflag:s23], $0x1  }
0xa3: {  	[sflag:s23] =	ssyncset.done $0x0  }
0xa4: {  	s25 =	simm.s32 $0x1B8E;
	s24 =	sld [smem:$0x3FFE];
	[sflag:s23] =	ssyncadd.s32 $0xFFFFFFFF  }
0xa5: {  	s26 =	simm.s32 $execute0_lowered;
	[smem:$0x3FD2] =	sst s25  }
0xa6: {  	s5 =	sshll.u32 s26, $0x1;
	_ =	strace $0x80000049;
	[dreg:$0x1] =	wrdreg $0xFFFFFFFF  }
0xa7: {  	s28 =	simm.s32 $_size_execute0_lowered;
	s3 =	sadd.s32 s3, s5;
	[dreg:$0x0] =	wrdreg $0x0  }
0xa8: {  	s5 =	sshll.u32 s28, $0x1;
	[dreg:$0x2] =	wrdreg s3  }
0xa9: {  	[dreg:$0x3] =	wrdreg s5  }
0xaa: {  	[dreg:$0x4] =	wrdreg $0xC0  }
0xab: {  	_ =	task [dreg:s7], $0x5FFFF  }
0xac: {  	[dreg:$0x1] =	wrdreg $0xFFFFFFFF  }
0xad: {  	[dreg:$0x0] =	wrdreg $0x60  }
0xae: {  	[dreg:$0x2] =	wrdreg s24  }
0xaf: {  	[dreg:$0x3] =	wrdreg s2  }
0xb0: {  	[dreg:$0x4] =	wrdreg $0x9  }
0xb1: {  	_ =	task.clear_ibuf [dreg:s7], $0x5FFFF;
	_ =	strace $0x90000049  }
0xb2: {  	s29 =	simm.s32 $0x9;
	_ =	strace $0x8000004B  }
0xb3: {  	_ =	swait.ge [sflag:s29], $0x1  }
0xb4: {  	[sflag:s29] =	ssyncadd.s32 $0xFFFFFFFF  }
0xb5: {  	_ =	strace $0x9000004B  }
0xb6: {  	_ =	sfence  }
0xb7: {  	s30 =	sld [smem:$0x0];
	_ =	sdelay $0x2  }
0xb8: {  	s31 =	sshll.u32 s1, $0xD;
	s1 =	sshrl.u32 s1, $0x2  }
0xb9: {  	s3 =	sand.u32 $0x4000, s31;
	s1 =	sadd.s32 s1, s30  }
0xba: {  	s0 =	sor.u32 s3, s0;
	s1 =	sshll.u32 s1, $0x11  }
0xbb: {  	s0 =	sor.u32 s1, s0  }
0xbc: {  	s0 =	sadd.s32 $0x8F2B, s0  }
0xbd: {  	[sflag:s0] =	ssyncadd.remote.s32 $0x1  }
0xbe: {  	_ =	sfence.sel $0xFFFF  }
0xbf: {  	[dreg:$0x0] =	wrdreg $0xFFFFFFFF;
	(pc) =	sbr.abs _section_cstart, $3  }
0xc0: {  	[dreg:$0x1] =	wrdreg $0xFFFFFFFF  }
0xc1: {  	_ =	task.clear_ibuf [dreg:s7], $0x2FFFF;
	_ =	strace $0x9FFFFFFF  }
0xc2: {  	(tm) =	ssettm $0x7FFFFFFF  }
0xc3: {  	_ =	shalt  }
tec
execute0_lowered:
.L_overlay_start_1:
0x0: {  	(tag) =	ssettag $0x1  }
0x1: {  	s2 =	srdreg.scid;
	s1 =	rddreg [dreg:$0x0]  }
0x2: {  	s3 =	rddreg [dreg:$0x1];
	s4 =	sand.u32 $0x1, s2;
	s2 =	simm.s32 $0x0  }
0x3: {  	s23 =	simm.s32 $0x18000;
	[smem:$0x7FF] =	sst s2  }
0x4: {  	s24 =	simm.s32 $0x18080;
	_ =	strace $0x8000004A;
	[dreg:$0x7] =	wrdreg s23  }
0x5: {  	s25 =	simm.s32 $0x800;
	[dreg:$0x8] =	wrdreg s24  }
0x6: {  	s0 =	stileid.u32;
	s26 =	simm.s32 $0x1000;
	[dreg:$0x9] =	wrdreg s25  }
0x7: {  	s20 =	sshll.u32 s0, $0x1;
	s0 =	simm.s32 $0x1800;
	[dreg:$0xa] =	wrdreg s26  }
0x8: {  	s8 =	simm.s32 $0x3800;
	[dreg:$0xb] =	wrdreg s0  }
0x9: {  	s9 =	simm.s32 $0x4000;
	[dreg:$0xf] =	wrdreg s8  }
0xa: {  	s10 =	simm.s32 $0x4800;
	[dreg:$0x10] =	wrdreg s9  }
0xb: {  	s11 =	simm.s32 $0x5000;
	s12 =	simm.s32 $0x5800;
	[dreg:$0x11] =	wrdreg s10  }
0xc: {  	s13 =	simm.s32 $0x6000;
	s14 =	simm.s32 $0x6800;
	[dreg:$0x12] =	wrdreg s11  }
0xd: {  	s15 =	simm.s32 $0x7000;
	s16 =	simm.s32 $0x7800;
	[dreg:$0x13] =	wrdreg s12  }
0xe: {  	s17 =	simm.s32 $0x8000;
	s18 =	simm.s32 $0x8800;
	[dreg:$0x14] =	wrdreg s13  }
0xf: {  	s28 =	simm.s32 $0x16000;
	s29 =	simm.s32 $0x16800;
	[dreg:$0x15] =	wrdreg s14  }
0x10: {  	s30 =	simm.s32 $0x17000;
	s31 =	simm.s32 $0x17800;
	[dreg:$0x16] =	wrdreg s15  }
0x11: {  	s5 =	sor.u32 s4, s20;
	s4 =	ssub.s32 $0x2, s4;
	[dreg:$0x17] =	wrdreg s16  }
0x12: {  	s20 =	simm.s32 $0x9000;
	s6 =	sshll.u32 s5, $0x4;
	[dreg:$0x18] =	wrdreg s17  }
0x13: {  	s5 =	smul.u32 $0x1800, s5;
	s19 =	sshrl.u32 s4, $0x1;
	[dreg:$0x19] =	wrdreg s18  }
0x14: {  	[dreg:$0x1a] =	wrdreg s20;
	s23 =	simm.s32 $0xA800;
	s24 =	simm.s32 $0xB000  }
0x15: {  	s25 =	simm.s32 $0xB800;
	s8 =	simm.s32 $0xC000;
	s26 =	simm.s32 $0xC800  }
0x16: {  	s10 =	simm.s32 $0xD800;
	s11 =	simm.s32 $0xE000;
	s12 =	simm.s32 $0xE800  }
0x17: {  	s13 =	simm.s32 $0xF000;
	s14 =	simm.s32 $0xF800;
	[dreg:$0x1d] =	wrdreg s23  }
0x18: {  	s15 =	simm.s32 $0x10000;
	s16 =	simm.s32 $0x10800;
	[dreg:$0x1e] =	wrdreg s24  }
0x19: {  	s17 =	simm.s32 $0x11000;
	s18 =	simm.s32 $0x11800;
	[dreg:$0x1f] =	wrdreg s25  }
0x1a: {  	s20 =	simm.s32 $0x12800;
	s6 =	sadd.s32 s6, s1;
	[smem:$0x7FD] =	sst s26  }
0x1b: {  	s23 =	simm.s32 $0x14000;
	s24 =	simm.s32 $0x14800;
	s7 =	sadd.s32 $0x11600, s6  }
0x1c: {  	s25 =	simm.s32 $0x15000;
	s6 =	sadd.s32 $0x11400, s6;
	[dreg:$0x3] =	wrdreg s7  }
0x1d: {  	s26 =	simm.s32 $0x15800;
	s3 =	sadd.s32 s3, s5;
	[dreg:$0x4] =	wrdreg s6  }
0x1e: {  	s21 =	sadd.s32 s5, s1;
	s5 =	simm.s32 $0x2000;
	[dreg:$0x5] =	wrdreg s3  }
0x1f: {  	s22 =	sadd.s32 $0x11800, s21;
	[dreg:$0xc] =	wrdreg s5;
	s6 =	simm.s32 $0x2800  }
0x20: {  	s7 =	simm.s32 $0x3000;
	s3 =	sadd.s32 $0xD1800, s1;
	[dreg:$0x6] =	wrdreg s22  }
0x21: {  	s21 =	simm.s32 $0x9800;
	s5 =	sadd.s32 $0xD1A00, s1;
	[dreg:$0xd] =	wrdreg s6  }
0x22: {  	[dreg:$0xe] =	wrdreg s7;
	s6 =	ssub.s32 s4, s19;
	s4 =	sadd.s32 $0xD1900, s1  }
0x23: {  	v2 =	vlaneseq.u32;
	[dreg:$0x1b] =	wrdreg s21;
	s22 =	simm.s32 $0xA000;
	s7 =	simm.s32 $0x2  }
0x24: {  	vm0 =	vmmov $0xffff;
	v1 =	vshrl.u32 v2, $0x3;
	s19 =	simm.s32 $0x12000;
	s21 =	simm.s32 $0x13000;
	s1 =	simm.s32 $0x1  }
0x25: {  	v0 =	vand.u32 $0x7, v2;
	v2 =	vor.u32 $0x8, v2;
	v1 =	vmul.u32 $0x8, v1;
	[dreg:$0x1c] =	wrdreg s22;
	s6 =	smax.u32 s6, $0x1;
	s22 =	simm.s32 $0x13800  }
.LBB2_1:
0x26: {  	s0 =	rddreg [dreg:$0x3]  }
0x27: {  	s9 =	rddreg [dreg:$0x7]  }
0x28: {  	[tilespmem:s9], [sflag:$0x2] =	stream.linear.gather [hbm4b:s0+s2], $0x80, $0x38;
	[tilespmem:$0x18100] =	vst v63  }
0x29: {  	_ =	swait.ge [sflag:s7], $0x80  }
0x2a: {  	s0 =	rddreg [dreg:$0x4];
	[sflag:s7] =	ssyncset.done $0x0  }
0x2b: {  	s9 =	rddreg [dreg:$0x8];
	[sflag:s7] =	ssyncadd.s32 $0xFFFFFF80  }
0x2c: {  	[tilespmem:s9], [sflag:$0x2] =	stream.linear.gather [hbm4b:s0+s2], $0x80, $0x38;
	[tilespmem:$0x18100] =	vst v63  }
0x2d: {  	_ =	swait.ge [sflag:s7], $0x80  }
0x2e: {  	[sflag:s7] =	ssyncset.done $0x0  }
0x2f: {  	[sflag:s7] =	ssyncadd.s32 $0xFFFFFF80  }
0x30: {  	v3 =	vld [tilespmem:$0x18000];
	_ =	sdelay $0x4  }
0x31: {  	v4 =	vshrl.u32 v3, $0x3  }
0x32: {  	v4 =	vmul.u32 $0x30, v4  }
0x33: {  	v3 =	vand.u32 $0x7, v3  }
0x34: {  	v3 =	vor.u32 v3, v4  }
0x35: {  	v4 =	vperm.xlane v3, v0;
	_ =	sdelay $0x1  }
0x36: {  	v4 =	vadd.s32 v1, v4;
	_ =	sdelay $0x3  }
0x37: {  	v3 =	vperm.xlane v3, v2  }
0x38: {  	[tilespmem:s2], [sflag:$0x1] =	stream.indirect_vreg.gather [hbm4b:s3+s2], $0x80, v4, vm0, $0xb8;
	[tilespmem:$0x18100] =	vst v63  }
0x39: {  	s0 =	rddreg [dreg:$0x9];
	v3 =	vadd.s32 v1, v3  }
0x3a: {  	[tilespmem:s0], [sflag:$0x1] =	stream.indirect_vreg.gather [hbm4b:s4+s2], $0x80, v4, vm0, $0xb8;
	[tilespmem:$0x18100] =	vst v63  }
0x3b: {  	s9 =	rddreg [dreg:$0xa]  }
0x3c: {  	[tilespmem:s9], [sflag:$0x1] =	stream.indirect_vreg.gather [hbm4b:s5+s2], $0x80, v4, vm0, $0xb8;
	[tilespmem:$0x18100] =	vst v63  }
0x3d: {  	s0 =	rddreg [dreg:$0xb]  }
0x3e: {  	[tilespmem:s0], [sflag:$0x1] =	stream.indirect_vreg.gather [hbm4b:s3+s2], $0x80, v3, vm0, $0xb8;
	[tilespmem:$0x18100] =	vst v63  }
0x3f: {  	s9 =	rddreg [dreg:$0xc]  }
0x40: {  	[tilespmem:s9], [sflag:$0x1] =	stream.indirect_vreg.gather [hbm4b:s4+s2], $0x80, v3, vm0, $0xb8;
	[tilespmem:$0x18100] =	vst v63  }
0x41: {  	s0 =	rddreg [dreg:$0xd]  }
0x42: {  	[tilespmem:s0], [sflag:$0x1] =	stream.indirect_vreg.gather [hbm4b:s5+s2], $0x80, v3, vm0, $0xb8;
	[tilespmem:$0x18100] =	vst v63  }
0x43: {  	v3 =	vld [tilespmem:$0x18010];
	_ =	sdelay $0x4  }
0x44: {  	v57 =	vshrl.u32 v3, $0x3  }
0x45: {  	v4 =	vmul.u32 $0x30, v57  }
0x46: {  	v3 =	vand.u32 $0x7, v3  }
0x47: {  	v3 =	vor.u32 v3, v4  }
0x48: {  	v4 =	vperm.xlane v3, v0;
	_ =	sdelay $0x1  }
0x49: {  	v4 =	vadd.s32 v1, v4;
	_ =	sdelay $0x3  }
0x4a: {  	s0 =	rddreg [dreg:$0xe];
	v3 =	vperm.xlane v3, v2  }
0x4b: {  	[tilespmem:s0], [sflag:$0x1] =	stream.indirect_vreg.gather [hbm4b:s3+s2], $0x80, v4, vm0, $0xb8;
	[tilespmem:$0x18100] =	vst v63  }
0x4c: {  	s9 =	rddreg [dreg:$0xf];
	v3 =	vadd.s32 v1, v3  }
0x4d: {  	[tilespmem:s9], [sflag:$0x1] =	stream.indirect_vreg.gather [hbm4b:s4+s2], $0x80, v4, vm0, $0xb8;
	[tilespmem:$0x18100] =	vst v63  }
0x4e: {  	s0 =	rddreg [dreg:$0x10]  }
0x4f: {  	[tilespmem:s0], [sflag:$0x1] =	stream.indirect_vreg.gather [hbm4b:s5+s2], $0x80, v4, vm0, $0xb8;
	[tilespmem:$0x18100] =	vst v63  }
0x50: {  	s9 =	rddreg [dreg:$0x11]  }
0x51: {  	[tilespmem:s9], [sflag:$0x1] =	stream.indirect_vreg.gather [hbm4b:s3+s2], $0x80, v3, vm0, $0xb8;
	[tilespmem:$0x18100] =	vst v63  }
0x52: {  	s0 =	rddreg [dreg:$0x12]  }
0x53: {  	[tilespmem:s0], [sflag:$0x1] =	stream.indirect_vreg.gather [hbm4b:s4+s2], $0x80, v3, vm0, $0xb8;
	[tilespmem:$0x18100] =	vst v63  }
0x54: {  	s9 =	rddreg [dreg:$0x13]  }
0x55: {  	[tilespmem:s9], [sflag:$0x1] =	stream.indirect_vreg.gather [hbm4b:s5+s2], $0x80, v3, vm0, $0xb8;
	[tilespmem:$0x18100] =	vst v63  }
0x56: {  	v3 =	vld [tilespmem:$0x18020];
	_ =	sdelay $0x4  }
0x57: {  	v58 =	vshrl.u32 v3, $0x3  }
0x58: {  	v4 =	vmul.u32 $0x30, v58  }
0x59: {  	v3 =	vand.u32 $0x7, v3  }
0x5a: {  	v3 =	vor.u32 v3, v4  }
0x5b: {  	v4 =	vperm.xlane v3, v0;
	_ =	sdelay $0x1  }
0x5c: {  	v4 =	vadd.s32 v1, v4;
	_ =	sdelay $0x3  }
0x5d: {  	s0 =	rddreg [dreg:$0x14];
	v3 =	vperm.xlane v3, v2  }
0x5e: {  	[tilespmem:s0], [sflag:$0x1] =	stream.indirect_vreg.gather [hbm4b:s3+s2], $0x80, v4, vm0, $0xb8;
	[tilespmem:$0x18100] =	vst v63  }
0x5f: {  	s9 =	rddreg [dreg:$0x15];
	v3 =	vadd.s32 v1, v3  }
0x60: {  	[tilespmem:s9], [sflag:$0x1] =	stream.indirect_vreg.gather [hbm4b:s4+s2], $0x80, v4, vm0, $0xb8;
	[tilespmem:$0x18100] =	vst v63  }
0x61: {  	s0 =	rddreg [dreg:$0x16]  }
0x62: {  	[tilespmem:s0], [sflag:$0x1] =	stream.indirect_vreg.gather [hbm4b:s5+s2], $0x80, v4, vm0, $0xb8;
	[tilespmem:$0x18100] =	vst v63  }
0x63: {  	s9 =	rddreg [dreg:$0x17]  }
0x64: {  	[tilespmem:s9], [sflag:$0x1] =	stream.indirect_vreg.gather [hbm4b:s3+s2], $0x80, v3, vm0, $0xb8;
	[tilespmem:$0x18100] =	vst v63  }
0x65: {  	s0 =	rddreg [dreg:$0x18]  }
0x66: {  	[tilespmem:s0], [sflag:$0x1] =	stream.indirect_vreg.gather [hbm4b:s4+s2], $0x80, v3, vm0, $0xb8;
	[tilespmem:$0x18100] =	vst v63  }
0x67: {  	s9 =	rddreg [dreg:$0x19]  }
0x68: {  	[tilespmem:s9], [sflag:$0x1] =	stream.indirect_vreg.gather [hbm4b:s5+s2], $0x80, v3, vm0, $0xb8;
	[tilespmem:$0x18100] =	vst v63  }
0x69: {  	v3 =	vld [tilespmem:$0x18030];
	_ =	sdelay $0x4  }
0x6a: {  	v59 =	vshrl.u32 v3, $0x3  }
0x6b: {  	v4 =	vmul.u32 $0x30, v59  }
0x6c: {  	v3 =	vand.u32 $0x7, v3  }
0x6d: {  	v3 =	vor.u32 v3, v4  }
0x6e: {  	v4 =	vperm.xlane v3, v0;
	_ =	sdelay $0x1  }
0x6f: {  	v4 =	vadd.s32 v1, v4;
	_ =	sdelay $0x3  }
0x70: {  	s0 =	rddreg [dreg:$0x1a];
	v3 =	vperm.xlane v3, v2  }
0x71: {  	[tilespmem:s0], [sflag:$0x1] =	stream.indirect_vreg.gather [hbm4b:s3+s2], $0x80, v4, vm0, $0xb8;
	[tilespmem:$0x18100] =	vst v63  }
0x72: {  	s9 =	rddreg [dreg:$0x1b];
	v3 =	vadd.s32 v1, v3  }
0x73: {  	[tilespmem:s9], [sflag:$0x1] =	stream.indirect_vreg.gather [hbm4b:s4+s2], $0x80, v4, vm0, $0xb8;
	[tilespmem:$0x18100] =	vst v63  }
0x74: {  	s0 =	rddreg [dreg:$0x1c]  }
0x75: {  	[tilespmem:s0], [sflag:$0x1] =	stream.indirect_vreg.gather [hbm4b:s5+s2], $0x80, v4, vm0, $0xb8;
	[tilespmem:$0x18100] =	vst v63  }
0x76: {  	s9 =	rddreg [dreg:$0x1d]  }
0x77: {  	[tilespmem:s9], [sflag:$0x1] =	stream.indirect_vreg.gather [hbm4b:s3+s2], $0x80, v3, vm0, $0xb8;
	[tilespmem:$0x18100] =	vst v63  }
0x78: {  	s0 =	rddreg [dreg:$0x1e]  }
0x79: {  	[tilespmem:s0], [sflag:$0x1] =	stream.indirect_vreg.gather [hbm4b:s4+s2], $0x80, v3, vm0, $0xb8;
	[tilespmem:$0x18100] =	vst v63  }
0x7a: {  	s9 =	rddreg [dreg:$0x1f]  }
0x7b: {  	[tilespmem:s9], [sflag:$0x1] =	stream.indirect_vreg.gather [hbm4b:s5+s2], $0x80, v3, vm0, $0xb8;
	[tilespmem:$0x18100] =	vst v63  }
0x7c: {  	v3 =	vld [tilespmem:$0x18080];
	_ =	sdelay $0x4  }
0x7d: {  	v60 =	vshrl.u32 v3, $0x3  }
0x7e: {  	v4 =	vmul.u32 $0x30, v60  }
0x7f: {  	v3 =	vand.u32 $0x7, v3  }
0x80: {  	v3 =	vor.u32 v3, v4  }
0x81: {  	v4 =	vperm.xlane v3, v0;
	_ =	sdelay $0x1  }
0x82: {  	v4 =	vadd.s32 v1, v4;
	_ =	sdelay $0x3  }
0x83: {  	s9 =	sld [smem:$0x7FD];
	v3 =	vperm.xlane v3, v2  }
0x84: {  	[tilespmem:s8], [sflag:$0x1] =	stream.indirect_vreg.gather [hbm4b:s3+s2], $0x80, v4, vm0, $0xb8;
	[tilespmem:$0x18100] =	vst v63  }
0x85: {  	v3 =	vadd.s32 v1, v3  }
0x86: {  	[tilespmem:s9], [sflag:$0x1] =	stream.indirect_vreg.gather [hbm4b:s4+s2], $0x80, v4, vm0, $0xb8;
	[tilespmem:$0x18100] =	vst v63  }
0x87: {  	s9 =	simm.s32 $0xD000  }
0x88: {  	[tilespmem:s9], [sflag:$0x1] =	stream.indirect_vreg.gather [hbm4b:s5+s2], $0x80, v4, vm0, $0xb8;
	[tilespmem:$0x18100] =	vst v63  }
0x89: {  	_ = 	snop  }
0x8a: {  	[tilespmem:s10], [sflag:$0x1] =	stream.indirect_vreg.gather [hbm4b:s3+s2], $0x80, v3, vm0, $0xb8;
	[tilespmem:$0x18100] =	vst v63  }
0x8b: {  	_ = 	snop  }
0x8c: {  	[tilespmem:s11], [sflag:$0x1] =	stream.indirect_vreg.gather [hbm4b:s4+s2], $0x80, v3, vm0, $0xb8;
	[tilespmem:$0x18100] =	vst v63  }
0x8d: {  	_ = 	snop  }
0x8e: {  	[tilespmem:s12], [sflag:$0x1] =	stream.indirect_vreg.gather [hbm4b:s5+s2], $0x80, v3, vm0, $0xb8;
	[tilespmem:$0x18100] =	vst v63  }
0x8f: {  	v3 =	vld [tilespmem:$0x18090];
	_ =	sdelay $0x4  }
0x90: {  	v61 =	vshrl.u32 v3, $0x3  }
0x91: {  	v4 =	vmul.u32 $0x30, v61  }
0x92: {  	v3 =	vand.u32 $0x7, v3  }
0x93: {  	v3 =	vor.u32 v3, v4  }
0x94: {  	v4 =	vperm.xlane v3, v0;
	_ =	sdelay $0x1  }
0x95: {  	v4 =	vadd.s32 v1, v4;
	_ =	sdelay $0x3  }
0x96: {  	v3 =	vperm.xlane v3, v2  }
0x97: {  	[tilespmem:s13], [sflag:$0x1] =	stream.indirect_vreg.gather [hbm4b:s3+s2], $0x80, v4, vm0, $0xb8;
	[tilespmem:$0x18100] =	vst v63  }
0x98: {  	v3 =	vadd.s32 v1, v3  }
0x99: {  	[tilespmem:s14], [sflag:$0x1] =	stream.indirect_vreg.gather [hbm4b:s4+s2], $0x80, v4, vm0, $0xb8;
	[tilespmem:$0x18100] =	vst v63  }
0x9a: {  	_ = 	snop  }
0x9b: {  	[tilespmem:s15], [sflag:$0x1] =	stream.indirect_vreg.gather [hbm4b:s5+s2], $0x80, v4, vm0, $0xb8;
	[tilespmem:$0x18100] =	vst v63  }
0x9c: {  	_ = 	snop  }
0x9d: {  	[tilespmem:s16], [sflag:$0x1] =	stream.indirect_vreg.gather [hbm4b:s3+s2], $0x80, v3, vm0, $0xb8;
	[tilespmem:$0x18100] =	vst v63  }
0x9e: {  	_ = 	snop  }
0x9f: {  	[tilespmem:s17], [sflag:$0x1] =	stream.indirect_vreg.gather [hbm4b:s4+s2], $0x80, v3, vm0, $0xb8;
	[tilespmem:$0x18100] =	vst v63  }
0xa0: {  	_ = 	snop  }
0xa1: {  	[tilespmem:s18], [sflag:$0x1] =	stream.indirect_vreg.gather [hbm4b:s5+s2], $0x80, v3, vm0, $0xb8;
	[tilespmem:$0x18100] =	vst v63  }
0xa2: {  	v3 =	vld [tilespmem:$0x180A0];
	_ =	sdelay $0x4  }
0xa3: {  	v62 =	vshrl.u32 v3, $0x3  }
0xa4: {  	v4 =	vmul.u32 $0x30, v62  }
0xa5: {  	v3 =	vand.u32 $0x7, v3  }
0xa6: {  	v3 =	vor.u32 v3, v4  }
0xa7: {  	v4 =	vperm.xlane v3, v0;
	_ =	sdelay $0x1  }
0xa8: {  	v4 =	vadd.s32 v1, v4;
	_ =	sdelay $0x3  }
0xa9: {  	v3 =	vperm.xlane v3, v2  }
0xaa: {  	[tilespmem:s19], [sflag:$0x1] =	stream.indirect_vreg.gather [hbm4b:s3+s2], $0x80, v4, vm0, $0xb8;
	[tilespmem:$0x18100] =	vst v63  }
0xab: {  	v3 =	vadd.s32 v1, v3  }
0xac: {  	[tilespmem:s20], [sflag:$0x1] =	stream.indirect_vreg.gather [hbm4b:s4+s2], $0x80, v4, vm0, $0xb8;
	[tilespmem:$0x18100] =	vst v63  }
0xad: {  	_ = 	snop  }
0xae: {  	[tilespmem:s21], [sflag:$0x1] =	stream.indirect_vreg.gather [hbm4b:s5+s2], $0x80, v4, vm0, $0xb8;
	[tilespmem:$0x18100] =	vst v63  }
0xaf: {  	_ = 	snop  }
0xb0: {  	[tilespmem:s22], [sflag:$0x1] =	stream.indirect_vreg.gather [hbm4b:s3+s2], $0x80, v3, vm0, $0xb8;
	[tilespmem:$0x18100] =	vst v63  }
0xb1: {  	_ = 	snop  }
0xb2: {  	[tilespmem:s23], [sflag:$0x1] =	stream.indirect_vreg.gather [hbm4b:s4+s2], $0x80, v3, vm0, $0xb8;
	[tilespmem:$0x18100] =	vst v63  }
0xb3: {  	_ = 	snop  }
0xb4: {  	[tilespmem:s24], [sflag:$0x1] =	stream.indirect_vreg.gather [hbm4b:s5+s2], $0x80, v3, vm0, $0xb8;
	[tilespmem:$0x18100] =	vst v63  }
0xb5: {  	v3 =	vld [tilespmem:$0x180B0];
	_ =	sdelay $0x4  }
0xb6: {  	v63 =	vshrl.u32 v3, $0x3  }
0xb7: {  	v4 =	vmul.u32 $0x30, v63  }
0xb8: {  	v3 =	vand.u32 $0x7, v3  }
0xb9: {  	v3 =	vor.u32 v3, v4  }
0xba: {  	v4 =	vperm.xlane v3, v0;
	_ =	sdelay $0x1  }
0xbb: {  	v4 =	vadd.s32 v1, v4;
	_ =	sdelay $0x3  }
0xbc: {  	v3 =	vperm.xlane v3, v2  }
0xbd: {  	[tilespmem:s25], [sflag:$0x1] =	stream.indirect_vreg.gather [hbm4b:s3+s2], $0x80, v4, vm0, $0xb8;
	[tilespmem:$0x18100] =	vst v63  }
0xbe: {  	v3 =	vadd.s32 v1, v3  }
0xbf: {  	[tilespmem:s26], [sflag:$0x1] =	stream.indirect_vreg.gather [hbm4b:s4+s2], $0x80, v4, vm0, $0xb8;
	[tilespmem:$0x18100] =	vst v63  }
0xc0: {  	_ = 	snop  }
0xc1: {  	[tilespmem:s28], [sflag:$0x1] =	stream.indirect_vreg.gather [hbm4b:s5+s2], $0x80, v4, vm0, $0xb8;
	[tilespmem:$0x18100] =	vst v63  }
0xc2: {  	_ = 	snop  }
0xc3: {  	[tilespmem:s29], [sflag:$0x1] =	stream.indirect_vreg.gather [hbm4b:s3+s2], $0x80, v3, vm0, $0xb8;
	[tilespmem:$0x18100] =	vst v63  }
0xc4: {  	_ = 	snop  }
0xc5: {  	[tilespmem:s30], [sflag:$0x1] =	stream.indirect_vreg.gather [hbm4b:s4+s2], $0x80, v3, vm0, $0xb8;
	[tilespmem:$0x18100] =	vst v63  }
0xc6: {  	_ = 	snop  }
0xc7: {  	[tilespmem:s31], [sflag:$0x1] =	stream.indirect_vreg.gather [hbm4b:s5+s2], $0x80, v3, vm0, $0xb8;
	[tilespmem:$0x18100] =	vst v63  }
0xc8: {  	_ =	swait.ge [sflag:s1], $0xC000  }
0xc9: {  	[sflag:s1] =	ssyncset.done $0x0  }
0xca: {  	[sflag:s1] =	ssyncadd.s32 $0xFFFF4000  }
0xcb: {  	_ =	swait.ge [sflag:s1], $0xC000  }
0xcc: {  	[sflag:s1] =	ssyncset.done $0x0  }
0xcd: {  	s9 =	rddreg [dreg:$0x5];
	[sflag:s1] =	ssyncadd.s32 $0xFFFF4000  }
0xce: {  	[hbm4b:s9+s2] =	stream.linear.scatter [tilespmem:s2], [sflag:$0x2], $0xC000, $0x38;
	[tilespmem:$0x18100] =	vst v63  }
0xcf: {  	_ =	swait.ge [sflag:s7], $0xC000  }
0xd0: {  	p0 =	sne.s32 s6, $0x1;
	[sflag:s7] =	ssyncset.done $0x0  }
.Ltmp0:
0xd1: {  	s9 =	rddreg [dreg:$0x6];
	[sflag:s7] =	ssyncadd.s32 $0xFFFF4000;
	(pc) =	sbr.rel @p0 .LBB2_1-.Ltmp0, $4  }
0xd2: {  	[hbm4b:s9+s2] =	stream.linear.scatter [tilespmem:s8], [sflag:$0x2], $0xC000, $0x38;
	[tilespmem:$0x18100] =	vst v63  }
0xd3: {  	_ =	swait.ge [sflag:s7], $0xC000  }
0xd4: {  	[sflag:s7] =	ssyncset.done $0x0  }
0xd5: {  	s6 =	sadd.s32 $0xFFFFFFFF, s6;
	[sflag:s7] =	ssyncadd.s32 $0xFFFF4000  }
0xd6: {  	_ =	sfence.sel $0x180000  }
0xd7: {  	[bflag:$0x0] =	sbarrier.arrive $0xFFFF  }
0xd8: {  	_ =	strace $0x9000004A  }
0xd9: {  	s0 =	stileid.u32;
	[bflag:$0x2] =	sbarrier.arrive $0xFFFF  }
0xda: {  	p0 =	sne.s32 s0, $0x0;
	s0 =	rddreg [dreg:$0x2]  }
0xdb: {  	s0 =	sadd.s32 @!p0 $0x100000, s0  }
0xdc: {  	[sflag:s0] =	ssyncadd.tile.s32 @!p0 $0x1;
	_ =	shalt  }
.Lfunc_end2:
_tile_overlayer_lowered:
.L_overlay_start_2:
0xdd: {  	(tag) =	ssettag $0x2  }
0xde: {  	s0 =	rddreg [dreg:$0x0];
	s2 =	stileid.u32  }
0xdf: {  	s1 =	rddreg [dreg:$0x1];
	p0 =	sne.s32 s2, $0x0  }
0xe0: {  	s3 =	rddreg [dreg:$0x2];
	[bflag:$0x3] =	sbarrier.arrive $0xFFFF;
	s2 =	simm.s32 @!p0 $0x1C02  }
0xe1: {  	[timem:s3], [sflag:s2] =	dma.local @!p0 [hbm:s0], s1  }
0xe2: {  	s0 =	simm.s32 @!p0 $0x2  }
0xe3: {  	_ =	swait.ge @!p0 [sflag:s0], s1  }
0xe4: {  	s1 =	ssub.s32 @!p0 $0x0, s1;
	[sflag:s0] =	ssyncset.done @!p0 $0x0  }
0xe5: {  	[sflag:s0] =	ssyncadd.s32 @!p0 s1  }
0xe6: {  	[bflag:$0x3] =	sbarrier.arrive $0xFFFF  }
0xe7: {  	_ =	shalt  }

// kernel: _moe.7.cloned.1.call-start
scs
__scs_entry_jumppad:
0x0: {  	(pc) =	sbr.rel $0x88, $3  }
0x1: {  	(tag) =	ssettag $0x0;
	lr =	simm.s32 $0x1  }
0x2: {  	[smem:$0x3F9C] =	sst lr;
	_ =	strace $0xD0000000  }
0x3: {  	_ = 	snop  }
0x4: {  	_ = 	snop  }
0x5: {  	_ = 	snop  }
0x6: {  	_ = 	snop  }
0x7: {  	_ = 	snop  }
__scs_overlays_trampoline_lowered:
0x8: {  	[smem:$0x3FAB] =	sst s0  }
0x9: {  	[smem:$0x3FAC] =	sst s1  }
0xa: {  	[smem:$0x3FAD] =	sst s2  }
0xb: {  	[smem:$0x3FAE] =	sst s3  }
0xc: {  	[smem:$0x3FAF] =	sst s4  }
0xd: {  	[smem:$0x3FB0] =	sst s5  }
0xe: {  	[smem:$0x3FB1] =	sst s6  }
0xf: {  	[smem:$0x3FB2] =	sst s7  }
0x10: {  	[smem:$0x3FB3] =	sst s8  }
0x11: {  	[smem:$0x3FB4] =	sst s9;
	s0 =	simm.s32 @!p0 $0x0  }
0x12: {  	s1 =	sld [smem:$0x3F9A];
	s0 =	simm.s32 @p0 $0x1  }
0x13: {  	[smem:$0x3FB5] =	sst s0;
	s0 =	simm.s32 @!p1 $0x0  }
0x14: {  	s2 =	sld [smem:$0x3F99];
	s0 =	simm.s32 @p1 $0x1  }
0x15: {  	[smem:$0x3FB6] =	sst s0;
	s0 =	simm.s32 @!p2 $0x0  }
0x16: {  	s3 =	sld [smem:$0x3FDB];
	s0 =	simm.s32 @p2 $0x1  }
0x17: {  	s4 =	simm.s32 $0x1BF5;
	[smem:$0x3FB8] =	sst s0  }
0x18: {  	s0 =	sld [smem:$0x3F9B];
	_ =	swait.ge [sflag:s4], $0x0  }
0x19: {  	s7 =	sld [smem:$0x3F9C]  }
0x1a: {  	s8 =	sadd.s32 $0xFFFFE003, lr  }
0x1b: {  	s9 =	sadd.s32 $0xFFFFFEF7, lr;
	s5 =	simm.s32 $0xFFFFFFFF;
	p2 =	slt.u32 s8, $0xFFFFF086  }
0x1c: {  	p1 =	slt.u32 s9, $0xF7A;
	s5 =	simm.s32 @!p2 $0x0  }
0x1d: {  	s5 =	simm.s32 @p1 $0x1;
	p0 =	seq.s32 s7, s2  }
0x1e: {  	s7 =	smul.u32 @!p0 $0xF7A, s2;
	p2 =	seq.s32 @!p0 s5, $0x0  }
0x1f: {  	s9 =	smul.u32 $0xF7A, s1;
	s8 =	simm.s32 @!p0 $0x1BF5;
	p2 =	por !p2, p0  }
0x20: {  	[sflag:s8] =	ssyncset.s32 @!p0 $0xFFFFF086;
	s6 =	sadd.s32 @!p0 s3, s7;
	s7 =	simm.s32 @!p0 $0x108  }
0x21: {  	s3 =	sadd.s32 s3, s9;
	s6 =	sadd.s32 @!p0 $0x88, s6;
	s7 =	simm.s32 @p2 $0x1082  }
0x22: {  	[simem:s7], [sflag:s8] =	dma.local @!p0 [hbm:s6], $0xF7A  }
0x23: {  	s9 =	sor.u32 $0xD0000000, s2;
	s6 =	simm.s32 $0x108;
	_ =	swait.ge @!p0 [sflag:s8], $0x0  }
0x24: {  	s3 =	sadd.s32 $0x88, s3;
	s6 =	simm.s32 @!p1 $0x1082;
	[sflag:s4] =	ssyncset.s32 $0xFFFFF086  }
0x25: {  	[simem:s6], [sflag:s4] =	dma.local [hbm:s3], $0xF7A  }
0x26: {  	[smem:$0x3F9C] =	sst s1;
	(tag) =	ssettag s2;
	_ =	strace s9  }
0x27: {  	s1 =	sld [smem:$0x3FAC]  }
0x28: {  	s2 =	sld [smem:$0x3FAD]  }
0x29: {  	s4 =	sld [smem:$0x3FAF]  }
0x2a: {  	p0 =	seq.s32 s5, $0x0;
	s5 =	sld [smem:$0x3FB0]  }
0x2b: {  	s6 =	sld [smem:$0x3FB1]  }
0x2c: {  	s7 =	sld [smem:$0x3FB2]  }
0x2d: {  	s3 =	simm.s32 $0x108;
	s8 =	sld [smem:$0x3FB3]  }
0x2e: {  	s3 =	simm.s32 @!p0 $0x1082;
	s9 =	sld [smem:$0x3FB4]  }
0x2f: {  	lr =	sadd.s32 s0, s3;
	s0 =	sld [smem:$0x3FAB]  }
0x30: {  	s3 =	sld [smem:$0x3FAE]  }
0x31: {  	[smem:$0x3FB7] =	sst s10  }
0x32: {  	s10 =	sld [smem:$0x3FB5];
	_ =	sdelay $0x3  }
0x33: {  	p0 =	seq.s32 s10, $0x1;
	s10 =	sld [smem:$0x3FB7];
	_ =	sdelay $0x3  }
0x34: {  	[smem:$0x3FB7] =	sst s10  }
0x35: {  	s10 =	sld [smem:$0x3FB6];
	_ =	sdelay $0x3  }
0x36: {  	p1 =	seq.s32 s10, $0x1;
	s10 =	sld [smem:$0x3FB7];
	_ =	sdelay $0x3  }
0x37: {  	[smem:$0x3FB7] =	sst s10  }
0x38: {  	s10 =	sld [smem:$0x3FB8]  }
0x39: {  	_ = 	snop;
	(pc) =	sbr.ind lr, $3  }
0x3a: {  	_ = 	snop  }
0x3b: {  	_ = 	snop  }
0x3c: {  	p2 =	seq.s32 s10, $0x1;
	s10 =	sld [smem:$0x3FB7]  }
0x3d: {  	_ =	shalt  }
0x3e: {  	_ =	shalt  }
0x3f: {  	_ =	shalt  }
0x40: {  	_ =	shalt  }
0x41: {  	_ =	shalt  }
0x42: {  	_ =	shalt  }
0x43: {  	_ =	shalt  }
0x44: {  	_ =	shalt  }
0x45: {  	_ =	shalt  }
0x46: {  	_ =	shalt  }
0x47: {  	_ =	shalt  }
0x48: {  	_ =	shalt  }
0x49: {  	_ =	shalt  }
0x4a: {  	_ =	shalt  }
0x4b: {  	_ =	shalt  }
0x4c: {  	_ =	shalt  }
0x4d: {  	_ =	shalt  }
0x4e: {  	_ =	shalt  }
0x4f: {  	_ =	shalt  }
0x50: {  	_ =	shalt  }
0x51: {  	_ =	shalt  }
0x52: {  	_ =	shalt  }
0x53: {  	_ =	shalt  }
0x54: {  	_ =	shalt  }
0x55: {  	_ =	shalt  }
0x56: {  	_ =	shalt  }
0x57: {  	_ =	shalt  }
0x58: {  	_ =	shalt  }
0x59: {  	_ =	shalt  }
0x5a: {  	_ =	shalt  }
0x5b: {  	_ =	shalt  }
0x5c: {  	_ =	shalt  }
0x5d: {  	_ =	shalt  }
0x5e: {  	_ =	shalt  }
0x5f: {  	_ =	shalt  }
0x60: {  	_ =	shalt  }
0x61: {  	_ =	shalt  }
0x62: {  	_ =	shalt  }
0x63: {  	_ =	shalt  }
0x64: {  	_ =	shalt  }
0x65: {  	_ =	shalt  }
0x66: {  	_ =	shalt  }
0x67: {  	_ =	shalt  }
0x68: {  	_ =	shalt  }
0x69: {  	_ =	shalt  }
0x6a: {  	_ =	shalt  }
0x6b: {  	_ =	shalt  }
0x6c: {  	_ =	shalt  }
0x6d: {  	_ =	shalt  }
0x6e: {  	_ =	shalt  }
0x6f: {  	_ =	shalt  }
0x70: {  	_ =	shalt  }
0x71: {  	_ =	shalt  }
0x72: {  	_ =	shalt  }
0x73: {  	_ =	shalt  }
0x74: {  	_ =	shalt  }
0x75: {  	_ =	shalt  }
0x76: {  	_ =	shalt  }
0x77: {  	_ =	shalt  }
0x78: {  	_ =	shalt  }
0x79: {  	_ =	shalt  }
0x7a: {  	_ =	shalt  }
0x7b: {  	_ =	shalt  }
0x7c: {  	_ =	shalt  }
0x7d: {  	_ =	shalt  }
0x7e: {  	_ =	shalt  }
0x7f: {  	_ =	shalt  }
0x80: {  	_ =	shalt  }
0x81: {  	_ =	shalt  }
0x82: {  	_ =	shalt  }
0x83: {  	_ =	shalt  }
0x84: {  	_ =	shalt  }
0x85: {  	_ =	shalt  }
0x86: {  	_ =	shalt  }
0x87: {  	_ =	shalt  }
.Lfunc_end0:
.L_simem_size_0:
called_computation_lowered:
.L_overlay_start_0:
0x88: {  	s2 =	sld [smem:$0x3FD9]  }
0x89: {  	s3 =	sld [smem:$0x3FFE];
	_ =	sdelay $0x1  }
0x8a: {  	s1 =	srdreg.scid  }
0x8b: {  	s0 =	sand.u32 $0x1, s1  }
0x8c: {  	s17 =	sshll.u32 s0, $0xA;
	s2 =	sadd.s32 s3, s2  }
0x8d: {  	s2 =	sadd.s32 s2, s17  }
0x8e: {  	[smem:$0x3FC3] =	sst s2  }
0x8f: {  	_ = 	snop  }
0x90: {  	s2 =	sld [smem:$0x3FC9];
	(tm) =	ssettm $0x1  }
0x91: {  	s18 =	sld [smem:$0x3FFB];
	_ =	sdelay $0x3  }
0x92: {  	_ =	strace s18  }
0x93: {  	s3 =	sld [smem:$0x3FFC];
	_ =	sdelay $0x3  }
0x94: {  	_ =	strace s3  }
0x95: {  	s3 =	sld [smem:$0x3FFD];
	_ =	sdelay $0x3  }
0x96: {  	_ =	strace s3  }
0x97: {  	_ =	strace $0x8FFFFFFF  }
0x98: {  	s19 =	sld [smem:$0x3FDB];
	_ =	sdelay $0x1  }
0x99: {  	s4 =	simm.s32 $_scs_section_size  }
0x9a: {  	s5 =	simm.s32 $_size__tile_overlayer_lowered;
	s6 =	simm.s32 $_tile_overlayer_lowered  }
0x9b: {  	s22 =	simm.s32 $0x1BFF;
	s21 =	sshll.u32 s6, $0x1;
	s3 =	sadd.s32 s4, s19  }
0x9c: {  	s7 =	simm.s32 $0x0;
	s20 =	sshll.u32 s5, $0x1;
	s5 =	sadd.s32 s21, s3  }
0x9d: {  	[timem:s7], [sflag:s22] =	dma.local [hbm:s5], s20  }
0x9e: {  	_ =	swait.ge [sflag:s22], s20  }
0x9f: {  	s4 =	ssub.s32 $0x0, s20;
	[sflag:s22] =	ssyncset.done $0x0  }
0xa0: {  	[sflag:s22] =	ssyncadd.s32 s4;
	_ =	sdelay $0x1  }
0xa1: {  	s23 =	simm.s32 $0x1B8B  }
0xa2: {  	_ =	swait.ge [sflag:s23], $0x1  }
0xa3: {  	[sflag:s23] =	ssyncset.done $0x0  }
0xa4: {  	s25 =	simm.s32 $0x1B8E;
	s24 =	sld [smem:$0x3FFE];
	[sflag:s23] =	ssyncadd.s32 $0xFFFFFFFF  }
0xa5: {  	s26 =	simm.s32 $execute0_lowered;
	[smem:$0x3FD2] =	sst s25  }
0xa6: {  	s5 =	sshll.u32 s26, $0x1;
	_ =	strace $0x80000046;
	[dreg:$0x1] =	wrdreg $0xFFFFFFFF  }
0xa7: {  	s28 =	simm.s32 $_size_execute0_lowered;
	s3 =	sadd.s32 s3, s5;
	[dreg:$0x0] =	wrdreg $0x0  }
0xa8: {  	s5 =	sshll.u32 s28, $0x1;
	[dreg:$0x2] =	wrdreg s3  }
0xa9: {  	[dreg:$0x3] =	wrdreg s5  }
0xaa: {  	[dreg:$0x4] =	wrdreg $0xC0  }
0xab: {  	_ =	task [dreg:s7], $0x5FFFF  }
0xac: {  	[dreg:$0x1] =	wrdreg $0xFFFFFFFF  }
0xad: {  	[dreg:$0x0] =	wrdreg $0x60  }
0xae: {  	[dreg:$0x2] =	wrdreg s2  }
0xaf: {  	[dreg:$0x3] =	wrdreg s24  }
0xb0: {  	[dreg:$0x4] =	wrdreg $0x9  }
0xb1: {  	_ =	task.clear_ibuf [dreg:s7], $0x5FFFF;
	_ =	strace $0x90000046  }
0xb2: {  	s29 =	simm.s32 $0x9;
	_ =	strace $0x80000048  }
0xb3: {  	_ =	swait.ge [sflag:s29], $0x1  }
0xb4: {  	[sflag:s29] =	ssyncadd.s32 $0xFFFFFFFF  }
0xb5: {  	_ =	strace $0x90000048  }
0xb6: {  	_ =	sfence  }
0xb7: {  	s30 =	sld [smem:$0x0];
	_ =	sdelay $0x2  }
0xb8: {  	s31 =	sshll.u32 s1, $0xD;
	s1 =	sshrl.u32 s1, $0x2  }
0xb9: {  	s3 =	sand.u32 $0x4000, s31;
	s1 =	sadd.s32 s1, s30  }
0xba: {  	s0 =	sor.u32 s3, s0;
	s1 =	sshll.u32 s1, $0x11  }
0xbb: {  	s0 =	sor.u32 s1, s0  }
0xbc: {  	s0 =	sadd.s32 $0x8F2B, s0  }
0xbd: {  	[sflag:s0] =	ssyncadd.remote.s32 $0x1  }
0xbe: {  	_ =	sfence.sel $0xFFFF  }
0xbf: {  	[dreg:$0x0] =	wrdreg $0xFFFFFFFF;
	(pc) =	sbr.abs _section_cstart, $3  }
0xc0: {  	[dreg:$0x1] =	wrdreg $0xFFFFFFFF  }
0xc1: {  	_ =	task.clear_ibuf [dreg:s7], $0x2FFFF;
	_ =	strace $0x9FFFFFFF  }
0xc2: {  	(tm) =	ssettm $0x7FFFFFFF  }
0xc3: {  	_ =	shalt  }
tec
execute0_lowered:
.L_overlay_start_1:
0x0: {  	(tag) =	ssettag $0x1  }
0x1: {  	s1 =	rddreg [dreg:$0x0]  }
0x2: {  	s2 =	srdreg.scid;
	s0 =	stileid.u32  }
0x3: {  	s5 =	rddreg [dreg:$0x1];
	s25 =	simm.s32 $0xC000;
	s26 =	simm.s32 $0xC080  }
0x4: {  	s9 =	simm.s32 $0x1000;
	s10 =	simm.s32 $0x1800;
	s11 =	simm.s32 $0x2000  }
0x5: {  	s12 =	simm.s32 $0x2800;
	s13 =	simm.s32 $0x3000;
	s14 =	simm.s32 $0x3800  }
0x6: {  	s15 =	simm.s32 $0x4000;
	s16 =	simm.s32 $0x4800;
	s17 =	simm.s32 $0x5000  }
0x7: {  	s18 =	simm.s32 $0x5800;
	s19 =	simm.s32 $0x6000;
	s20 =	simm.s32 $0x6800  }
0x8: {  	s21 =	simm.s32 $0x7000;
	s28 =	simm.s32 $0xA000;
	s29 =	simm.s32 $0xA800  }
0x9: {  	s30 =	simm.s32 $0xB000;
	s4 =	sand.u32 $0x1, s2;
	s3 =	sshll.u32 s0, $0x1  }
0xa: {  	s31 =	simm.s32 $0xB800;
	s2 =	simm.s32 $0x0;
	s3 =	sor.u32 s4, s3  }
0xb: {  	[smem:$0x7FF] =	sst s2;
	s4 =	ssub.s32 $0x2, s4;
	s6 =	sshll.u32 s3, $0x4  }
0xc: {  	s7 =	smul.u32 $0x1800, s3;
	_ =	strace $0x80000047;
	[dreg:$0x6] =	wrdreg s25  }
0xd: {  	s3 =	sadd.s32 $0x11800, s5;
	s22 =	sshrl.u32 s4, $0x1;
	[dreg:$0x7] =	wrdreg s26  }
0xe: {  	s25 =	simm.s32 $0x9000;
	s26 =	simm.s32 $0x9800;
	s6 =	sadd.s32 s6, s5  }
0xf: {  	s1 =	sadd.s32 s1, s7;
	s23 =	sadd.s32 $0x11600, s6;
	s7 =	ssub.s32 s4, s22  }
0x10: {  	s24 =	sadd.s32 $0x11400, s6;
	s4 =	sadd.s32 $0x11900, s5;
	[dreg:$0x3] =	wrdreg s1  }
0x11: {  	v2 =	vlaneseq.u32;
	s5 =	sadd.s32 $0x11A00, s5;
	s22 =	simm.s32 $0x7800;
	[dreg:$0x4] =	wrdreg s23  }
0x12: {  	vm0 =	vmmov $0xffff;
	v1 =	vshrl.u32 v2, $0x3;
	[dreg:$0x5] =	wrdreg s24;
	s6 =	smax.u32 s7, $0x1;
	s7 =	simm.s32 $0x2  }
0x13: {  	v0 =	vand.u32 $0x7, v2;
	v2 =	vor.u32 $0x8, v2;
	v1 =	vmul.u32 $0x8, v1;
	s23 =	simm.s32 $0x8000;
	s24 =	simm.s32 $0x8800;
	s1 =	simm.s32 $0x1  }
.LBB2_1:
0x14: {  	s0 =	rddreg [dreg:$0x3]  }
0x15: {  	[tilespmem:s2], [sflag:$0x2] =	stream.linear.gather [hbm4b:s0+s2], $0xC000, $0x38;
	[tilespmem:$0xC100] =	vst v63  }
0x16: {  	_ =	swait.ge [sflag:s7], $0xC000  }
0x17: {  	s0 =	rddreg [dreg:$0x4];
	[sflag:s7] =	ssyncset.done $0x0  }
0x18: {  	s8 =	rddreg [dreg:$0x6];
	[sflag:s7] =	ssyncadd.s32 $0xFFFF4000  }
0x19: {  	[tilespmem:s8], [sflag:$0x2] =	stream.linear.gather [hbm4b:s0+s2], $0x80, $0x38;
	[tilespmem:$0xC100] =	vst v63  }
0x1a: {  	_ =	swait.ge [sflag:s7], $0x80  }
0x1b: {  	s0 =	rddreg [dreg:$0x5];
	[sflag:s7] =	ssyncset.done $0x0  }
0x1c: {  	s8 =	rddreg [dreg:$0x7];
	[sflag:s7] =	ssyncadd.s32 $0xFFFFFF80  }
0x1d: {  	[tilespmem:s8], [sflag:$0x2] =	stream.linear.gather [hbm4b:s0+s2], $0x80, $0x38;
	[tilespmem:$0xC100] =	vst v63  }
0x1e: {  	_ =	swait.ge [sflag:s7], $0x80  }
0x1f: {  	[sflag:s7] =	ssyncset.done $0x0  }
0x20: {  	[sflag:s7] =	ssyncadd.s32 $0xFFFFFF80  }
0x21: {  	v3 =	vld [tilespmem:$0xC000];
	_ =	sdelay $0x4  }
0x22: {  	v4 =	vshrl.u32 v3, $0x3  }
0x23: {  	v4 =	vmul.u32 $0x30, v4  }
0x24: {  	v3 =	vand.u32 $0x7, v3  }
0x25: {  	v3 =	vor.u32 v3, v4  }
0x26: {  	v4 =	vperm.xlane v3, v0;
	_ =	sdelay $0x1  }
0x27: {  	v4 =	vadd.s32 v1, v4;
	_ =	sdelay $0x3  }
0x28: {  	v3 =	vperm.xlane v3, v2  }
0x29: {  	[hbm4b:s3+s2] =	stream.indirect_vreg.scatter [tilespmem:s2], [sflag:$0x1], $0x80, v4, vm0, $0xb8;
	[tilespmem:$0xC100] =	vst v63  }
0x2a: {  	s8 =	simm.s32 $0x800;
	v3 =	vadd.s32 v1, v3  }
0x2b: {  	[hbm4b:s4+s2] =	stream.indirect_vreg.scatter [tilespmem:s8], [sflag:$0x1], $0x80, v4, vm0, $0xb8;
	[tilespmem:$0xC100] =	vst v63  }
0x2c: {  	_ = 	snop  }
0x2d: {  	[hbm4b:s5+s2] =	stream.indirect_vreg.scatter [tilespmem:s9], [sflag:$0x1], $0x80, v4, vm0, $0xb8;
	[tilespmem:$0xC100] =	vst v63  }
0x2e: {  	_ = 	snop  }
0x2f: {  	[hbm4b:s3+s2] =	stream.indirect_vreg.scatter [tilespmem:s10], [sflag:$0x1], $0x80, v3, vm0, $0xb8;
	[tilespmem:$0xC100] =	vst v63  }
0x30: {  	_ = 	snop  }
0x31: {  	[hbm4b:s4+s2] =	stream.indirect_vreg.scatter [tilespmem:s11], [sflag:$0x1], $0x80, v3, vm0, $0xb8;
	[tilespmem:$0xC100] =	vst v63  }
0x32: {  	_ = 	snop  }
0x33: {  	[hbm4b:s5+s2] =	stream.indirect_vreg.scatter [tilespmem:s12], [sflag:$0x1], $0x80, v3, vm0, $0xb8;
	[tilespmem:$0xC100] =	vst v63  }
0x34: {  	v3 =	vld [tilespmem:$0xC010];
	_ =	sdelay $0x4  }
0x35: {  	v57 =	vshrl.u32 v3, $0x3  }
0x36: {  	v4 =	vmul.u32 $0x30, v57  }
0x37: {  	v3 =	vand.u32 $0x7, v3  }
0x38: {  	v3 =	vor.u32 v3, v4  }
0x39: {  	v4 =	vperm.xlane v3, v0;
	_ =	sdelay $0x1  }
0x3a: {  	v4 =	vadd.s32 v1, v4;
	_ =	sdelay $0x3  }
0x3b: {  	v3 =	vperm.xlane v3, v2  }
0x3c: {  	[hbm4b:s3+s2] =	stream.indirect_vreg.scatter [tilespmem:s13], [sflag:$0x1], $0x80, v4, vm0, $0xb8;
	[tilespmem:$0xC100] =	vst v63  }
0x3d: {  	v3 =	vadd.s32 v1, v3  }
0x3e: {  	[hbm4b:s4+s2] =	stream.indirect_vreg.scatter [tilespmem:s14], [sflag:$0x1], $0x80, v4, vm0, $0xb8;
	[tilespmem:$0xC100] =	vst v63  }
0x3f: {  	_ = 	snop  }
0x40: {  	[hbm4b:s5+s2] =	stream.indirect_vreg.scatter [tilespmem:s15], [sflag:$0x1], $0x80, v4, vm0, $0xb8;
	[tilespmem:$0xC100] =	vst v63  }
0x41: {  	_ = 	snop  }
0x42: {  	[hbm4b:s3+s2] =	stream.indirect_vreg.scatter [tilespmem:s16], [sflag:$0x1], $0x80, v3, vm0, $0xb8;
	[tilespmem:$0xC100] =	vst v63  }
0x43: {  	_ = 	snop  }
0x44: {  	[hbm4b:s4+s2] =	stream.indirect_vreg.scatter [tilespmem:s17], [sflag:$0x1], $0x80, v3, vm0, $0xb8;
	[tilespmem:$0xC100] =	vst v63  }
0x45: {  	_ = 	snop  }
0x46: {  	[hbm4b:s5+s2] =	stream.indirect_vreg.scatter [tilespmem:s18], [sflag:$0x1], $0x80, v3, vm0, $0xb8;
	[tilespmem:$0xC100] =	vst v63  }
0x47: {  	v3 =	vld [tilespmem:$0xC020];
	_ =	sdelay $0x4  }
0x48: {  	v58 =	vshrl.u32 v3, $0x3  }
0x49: {  	v4 =	vmul.u32 $0x30, v58  }
0x4a: {  	v3 =	vand.u32 $0x7, v3  }
0x4b: {  	v3 =	vor.u32 v3, v4  }
0x4c: {  	v4 =	vperm.xlane v3, v0;
	_ =	sdelay $0x1  }
0x4d: {  	v4 =	vadd.s32 v1, v4;
	_ =	sdelay $0x3  }
0x4e: {  	v3 =	vperm.xlane v3, v2  }
0x4f: {  	[hbm4b:s3+s2] =	stream.indirect_vreg.scatter [tilespmem:s19], [sflag:$0x1], $0x80, v4, vm0, $0xb8;
	[tilespmem:$0xC100] =	vst v63  }
0x50: {  	v3 =	vadd.s32 v1, v3  }
0x51: {  	[hbm4b:s4+s2] =	stream.indirect_vreg.scatter [tilespmem:s20], [sflag:$0x1], $0x80, v4, vm0, $0xb8;
	[tilespmem:$0xC100] =	vst v63  }
0x52: {  	_ = 	snop  }
0x53: {  	[hbm4b:s5+s2] =	stream.indirect_vreg.scatter [tilespmem:s21], [sflag:$0x1], $0x80, v4, vm0, $0xb8;
	[tilespmem:$0xC100] =	vst v63  }
0x54: {  	_ = 	snop  }
0x55: {  	[hbm4b:s3+s2] =	stream.indirect_vreg.scatter [tilespmem:s22], [sflag:$0x1], $0x80, v3, vm0, $0xb8;
	[tilespmem:$0xC100] =	vst v63  }
0x56: {  	_ = 	snop  }
0x57: {  	[hbm4b:s4+s2] =	stream.indirect_vreg.scatter [tilespmem:s23], [sflag:$0x1], $0x80, v3, vm0, $0xb8;
	[tilespmem:$0xC100] =	vst v63  }
0x58: {  	_ = 	snop  }
0x59: {  	[hbm4b:s5+s2] =	stream.indirect_vreg.scatter [tilespmem:s24], [sflag:$0x1], $0x80, v3, vm0, $0xb8;
	[tilespmem:$0xC100] =	vst v63  }
0x5a: {  	v3 =	vld [tilespmem:$0xC030];
	_ =	sdelay $0x4  }
0x5b: {  	v59 =	vshrl.u32 v3, $0x3  }
0x5c: {  	v4 =	vmul.u32 $0x30, v59  }
0x5d: {  	v3 =	vand.u32 $0x7, v3  }
0x5e: {  	v3 =	vor.u32 v3, v4  }
0x5f: {  	v4 =	vperm.xlane v3, v0;
	_ =	sdelay $0x1  }
0x60: {  	v4 =	vadd.s32 v1, v4;
	_ =	sdelay $0x3  }
0x61: {  	v3 =	vperm.xlane v3, v2  }
0x62: {  	[hbm4b:s3+s2] =	stream.indirect_vreg.scatter [tilespmem:s25], [sflag:$0x1], $0x80, v4, vm0, $0xb8;
	[tilespmem:$0xC100] =	vst v63  }
0x63: {  	v3 =	vadd.s32 v1, v3  }
0x64: {  	[hbm4b:s4+s2] =	stream.indirect_vreg.scatter [tilespmem:s26], [sflag:$0x1], $0x80, v4, vm0, $0xb8;
	[tilespmem:$0xC100] =	vst v63  }
0x65: {  	_ = 	snop  }
0x66: {  	[hbm4b:s5+s2] =	stream.indirect_vreg.scatter [tilespmem:s28], [sflag:$0x1], $0x80, v4, vm0, $0xb8;
	[tilespmem:$0xC100] =	vst v63  }
0x67: {  	_ = 	snop  }
0x68: {  	[hbm4b:s3+s2] =	stream.indirect_vreg.scatter [tilespmem:s29], [sflag:$0x1], $0x80, v3, vm0, $0xb8;
	[tilespmem:$0xC100] =	vst v63  }
0x69: {  	_ = 	snop  }
0x6a: {  	[hbm4b:s4+s2] =	stream.indirect_vreg.scatter [tilespmem:s30], [sflag:$0x1], $0x80, v3, vm0, $0xb8;
	[tilespmem:$0xC100] =	vst v63  }
0x6b: {  	_ = 	snop  }
0x6c: {  	[hbm4b:s5+s2] =	stream.indirect_vreg.scatter [tilespmem:s31], [sflag:$0x1], $0x80, v3, vm0, $0xb8;
	[tilespmem:$0xC100] =	vst v63  }
0x6d: {  	v3 =	vld [tilespmem:$0xC080];
	_ =	sdelay $0x4  }
0x6e: {  	v60 =	vshrl.u32 v3, $0x3  }
0x6f: {  	v4 =	vmul.u32 $0x30, v60  }
0x70: {  	v3 =	vand.u32 $0x7, v3  }
0x71: {  	v3 =	vor.u32 v3, v4  }
0x72: {  	v4 =	vperm.xlane v3, v0;
	_ =	sdelay $0x1  }
0x73: {  	v4 =	vadd.s32 v1, v4;
	_ =	sdelay $0x3  }
0x74: {  	v3 =	vperm.xlane v3, v2  }
0x75: {  	[hbm4b:s3+s2] =	stream.indirect_vreg.scatter [tilespmem:s2], [sflag:$0x1], $0x80, v4, vm0, $0xb8;
	[tilespmem:$0xC100] =	vst v63  }
0x76: {  	v3 =	vadd.s32 v1, v3  }
0x77: {  	[hbm4b:s4+s2] =	stream.indirect_vreg.scatter [tilespmem:s8], [sflag:$0x1], $0x80, v4, vm0, $0xb8;
	[tilespmem:$0xC100] =	vst v63  }
0x78: {  	_ = 	snop  }
0x79: {  	[hbm4b:s5+s2] =	stream.indirect_vreg.scatter [tilespmem:s9], [sflag:$0x1], $0x80, v4, vm0, $0xb8;
	[tilespmem:$0xC100] =	vst v63  }
0x7a: {  	_ = 	snop  }
0x7b: {  	[hbm4b:s3+s2] =	stream.indirect_vreg.scatter [tilespmem:s10], [sflag:$0x1], $0x80, v3, vm0, $0xb8;
	[tilespmem:$0xC100] =	vst v63  }
0x7c: {  	_ = 	snop  }
0x7d: {  	[hbm4b:s4+s2] =	stream.indirect_vreg.scatter [tilespmem:s11], [sflag:$0x1], $0x80, v3, vm0, $0xb8;
	[tilespmem:$0xC100] =	vst v63  }
0x7e: {  	_ = 	snop  }
0x7f: {  	[hbm4b:s5+s2] =	stream.indirect_vreg.scatter [tilespmem:s12], [sflag:$0x1], $0x80, v3, vm0, $0xb8;
	[tilespmem:$0xC100] =	vst v63  }
0x80: {  	v3 =	vld [tilespmem:$0xC090];
	_ =	sdelay $0x4  }
0x81: {  	v61 =	vshrl.u32 v3, $0x3  }
0x82: {  	v4 =	vmul.u32 $0x30, v61  }
0x83: {  	v3 =	vand.u32 $0x7, v3  }
0x84: {  	v3 =	vor.u32 v3, v4  }
0x85: {  	v4 =	vperm.xlane v3, v0;
	_ =	sdelay $0x1  }
0x86: {  	v4 =	vadd.s32 v1, v4;
	_ =	sdelay $0x3  }
0x87: {  	v3 =	vperm.xlane v3, v2  }
0x88: {  	[hbm4b:s3+s2] =	stream.indirect_vreg.scatter [tilespmem:s13], [sflag:$0x1], $0x80, v4, vm0, $0xb8;
	[tilespmem:$0xC100] =	vst v63  }
0x89: {  	v3 =	vadd.s32 v1, v3  }
0x8a: {  	[hbm4b:s4+s2] =	stream.indirect_vreg.scatter [tilespmem:s14], [sflag:$0x1], $0x80, v4, vm0, $0xb8;
	[tilespmem:$0xC100] =	vst v63  }
0x8b: {  	_ = 	snop  }
0x8c: {  	[hbm4b:s5+s2] =	stream.indirect_vreg.scatter [tilespmem:s15], [sflag:$0x1], $0x80, v4, vm0, $0xb8;
	[tilespmem:$0xC100] =	vst v63  }
0x8d: {  	_ = 	snop  }
0x8e: {  	[hbm4b:s3+s2] =	stream.indirect_vreg.scatter [tilespmem:s16], [sflag:$0x1], $0x80, v3, vm0, $0xb8;
	[tilespmem:$0xC100] =	vst v63  }
0x8f: {  	_ = 	snop  }
0x90: {  	[hbm4b:s4+s2] =	stream.indirect_vreg.scatter [tilespmem:s17], [sflag:$0x1], $0x80, v3, vm0, $0xb8;
	[tilespmem:$0xC100] =	vst v63  }
0x91: {  	_ = 	snop  }
0x92: {  	[hbm4b:s5+s2] =	stream.indirect_vreg.scatter [tilespmem:s18], [sflag:$0x1], $0x80, v3, vm0, $0xb8;
	[tilespmem:$0xC100] =	vst v63  }
0x93: {  	v3 =	vld [tilespmem:$0xC0A0];
	_ =	sdelay $0x4  }
0x94: {  	v62 =	vshrl.u32 v3, $0x3  }
0x95: {  	v4 =	vmul.u32 $0x30, v62  }
0x96: {  	v3 =	vand.u32 $0x7, v3  }
0x97: {  	v3 =	vor.u32 v3, v4  }
0x98: {  	v4 =	vperm.xlane v3, v0;
	_ =	sdelay $0x1  }
0x99: {  	v4 =	vadd.s32 v1, v4;
	_ =	sdelay $0x3  }
0x9a: {  	v3 =	vperm.xlane v3, v2  }
0x9b: {  	[hbm4b:s3+s2] =	stream.indirect_vreg.scatter [tilespmem:s19], [sflag:$0x1], $0x80, v4, vm0, $0xb8;
	[tilespmem:$0xC100] =	vst v63  }
0x9c: {  	v3 =	vadd.s32 v1, v3  }
0x9d: {  	[hbm4b:s4+s2] =	stream.indirect_vreg.scatter [tilespmem:s20], [sflag:$0x1], $0x80, v4, vm0, $0xb8;
	[tilespmem:$0xC100] =	vst v63  }
0x9e: {  	_ = 	snop  }
0x9f: {  	[hbm4b:s5+s2] =	stream.indirect_vreg.scatter [tilespmem:s21], [sflag:$0x1], $0x80, v4, vm0, $0xb8;
	[tilespmem:$0xC100] =	vst v63  }
0xa0: {  	_ = 	snop  }
0xa1: {  	[hbm4b:s3+s2] =	stream.indirect_vreg.scatter [tilespmem:s22], [sflag:$0x1], $0x80, v3, vm0, $0xb8;
	[tilespmem:$0xC100] =	vst v63  }
0xa2: {  	_ = 	snop  }
0xa3: {  	[hbm4b:s4+s2] =	stream.indirect_vreg.scatter [tilespmem:s23], [sflag:$0x1], $0x80, v3, vm0, $0xb8;
	[tilespmem:$0xC100] =	vst v63  }
0xa4: {  	_ = 	snop  }
0xa5: {  	[hbm4b:s5+s2] =	stream.indirect_vreg.scatter [tilespmem:s24], [sflag:$0x1], $0x80, v3, vm0, $0xb8;
	[tilespmem:$0xC100] =	vst v63  }
0xa6: {  	v3 =	vld [tilespmem:$0xC0B0];
	_ =	sdelay $0x4  }
0xa7: {  	v63 =	vshrl.u32 v3, $0x3  }
0xa8: {  	v4 =	vmul.u32 $0x30, v63  }
0xa9: {  	v3 =	vand.u32 $0x7, v3  }
0xaa: {  	v3 =	vor.u32 v3, v4  }
0xab: {  	v4 =	vperm.xlane v3, v0;
	_ =	sdelay $0x1  }
0xac: {  	v4 =	vadd.s32 v1, v4;
	_ =	sdelay $0x3  }
0xad: {  	v3 =	vperm.xlane v3, v2  }
0xae: {  	[hbm4b:s3+s2] =	stream.indirect_vreg.scatter [tilespmem:s25], [sflag:$0x1], $0x80, v4, vm0, $0xb8;
	[tilespmem:$0xC100] =	vst v63  }
0xaf: {  	v3 =	vadd.s32 v1, v3  }
0xb0: {  	[hbm4b:s4+s2] =	stream.indirect_vreg.scatter [tilespmem:s26], [sflag:$0x1], $0x80, v4, vm0, $0xb8;
	[tilespmem:$0xC100] =	vst v63  }
0xb1: {  	_ = 	snop  }
0xb2: {  	[hbm4b:s5+s2] =	stream.indirect_vreg.scatter [tilespmem:s28], [sflag:$0x1], $0x80, v4, vm0, $0xb8;
	[tilespmem:$0xC100] =	vst v63  }
0xb3: {  	_ = 	snop  }
0xb4: {  	[hbm4b:s3+s2] =	stream.indirect_vreg.scatter [tilespmem:s29], [sflag:$0x1], $0x80, v3, vm0, $0xb8;
	[tilespmem:$0xC100] =	vst v63  }
0xb5: {  	_ = 	snop  }
0xb6: {  	[hbm4b:s4+s2] =	stream.indirect_vreg.scatter [tilespmem:s30], [sflag:$0x1], $0x80, v3, vm0, $0xb8;
	[tilespmem:$0xC100] =	vst v63  }
0xb7: {  	_ = 	snop  }
0xb8: {  	[hbm4b:s5+s2] =	stream.indirect_vreg.scatter [tilespmem:s31], [sflag:$0x1], $0x80, v3, vm0, $0xb8;
	[tilespmem:$0xC100] =	vst v63  }
0xb9: {  	p0 =	sne.s32 s6, $0x1;
	_ =	swait.ge [sflag:s1], $0xC000  }
.Ltmp0:
0xba: {  	[sflag:s1] =	ssyncset.done $0x0;
	(pc) =	sbr.rel @p0 .LBB2_1-.Ltmp0, $4  }
0xbb: {  	[sflag:s1] =	ssyncadd.s32 $0xFFFF4000  }
0xbc: {  	_ =	swait.ge [sflag:s1], $0xC000  }
0xbd: {  	[sflag:s1] =	ssyncset.done $0x0  }
0xbe: {  	s6 =	sadd.s32 $0xFFFFFFFF, s6;
	[sflag:s1] =	ssyncadd.s32 $0xFFFF4000  }
0xbf: {  	_ =	sfence.sel $0x180000  }
0xc0: {  	[bflag:$0x0] =	sbarrier.arrive $0xFFFF  }
0xc1: {  	_ =	strace $0x90000047  }
0xc2: {  	s0 =	stileid.u32;
	[bflag:$0x2] =	sbarrier.arrive $0xFFFF  }
0xc3: {  	p0 =	sne.s32 s0, $0x0;
	s0 =	rddreg [dreg:$0x2]  }
0xc4: {  	s0 =	sadd.s32 @!p0 $0x100000, s0  }
0xc5: {  	[sflag:s0] =	ssyncadd.tile.s32 @!p0 $0x1;
	_ =	shalt  }
.Lfunc_end2:
_tile_overlayer_lowered:
.L_overlay_start_2:
0xc6: {  	(tag) =	ssettag $0x2  }
0xc7: {  	s0 =	rddreg [dreg:$0x0];
	s2 =	stileid.u32  }
0xc8: {  	s1 =	rddreg [dreg:$0x1];
	p0 =	sne.s32 s2, $0x0  }
0xc9: {  	s3 =	rddreg [dreg:$0x2];
	[bflag:$0x3] =	sbarrier.arrive $0xFFFF;
	s2 =	simm.s32 @!p0 $0x1C02  }
0xca: {  	[timem:s3], [sflag:s2] =	dma.local @!p0 [hbm:s0], s1  }
0xcb: {  	s0 =	simm.s32 @!p0 $0x2  }
0xcc: {  	_ =	swait.ge @!p0 [sflag:s0], s1  }
0xcd: {  	s1 =	ssub.s32 @!p0 $0x0, s1;
	[sflag:s0] =	ssyncset.done @!p0 $0x0  }
0xce: {  	[sflag:s0] =	ssyncadd.s32 @!p0 s1  }
0xcf: {  	[bflag:$0x3] =	sbarrier.arrive $0xFFFF  }
0xd0: {  	_ =	shalt  }

</sc_bundles>
